<compile_context>
chip_gen: v7x
topology: tpu7x:2x2x1
jax: 0.10.2.dev20260603
libtpu: 0.0.44.dev20260713+nightly
codegen_flags: <defaults>
</compile_context>

<pallas_src>
import functools

import jax
import jax.numpy as jnp
from jax import lax
from jax.experimental import pallas as pl
from jax.experimental.pallas import tpu as pltpu
from jax.experimental.pallas import tpu_sc as plsc

B, N, DIM = 16, 576, 256
BN = B * N
K = 8192

KT = 2048
NKC = K // KT
GPC = KT // 128
TOK = 2304
NTT = BN // TOK
TOK4 = 1152

NC, NS = 2, 16
NW = NC * NS
BPW = BN // NW
NCH, CH = 3, 96

_MINOR = (((1,), (1,)), ((), ()))


def _assign_kernel(cb_ref, w_ref, x_ref, rows_ref, idx_ref, cols_scr):
    i = pl.program_id(0)

    @pl.when(i < NKC)
    def _():
        cb = cb_ref[...]
        w = w_ref[...]
        icb = lax.dot_general(cb, w, _MINOR, preferred_element_type=jnp.float32)
        rn = jnp.sqrt(jnp.sum(icb * icb, axis=1, keepdims=True))
        rows_ref[...] = icb * (1.0 / jnp.clip(rn, 1e-12))
        icbt = lax.dot_general(w, cb, _MINOR, preferred_element_type=jnp.float32)
        cn = jnp.sqrt(jnp.sum(icbt * icbt, axis=0, keepdims=True))
        cols_scr[jnp.minimum(i, NKC - 1)] = icbt / jnp.clip(cn, 1e-12)

    @pl.when(i >= NKC)
    def _():
        xb = x_ref[...]
        nrm = jnp.sqrt(jnp.sum(xb * xb, axis=1, keepdims=True))
        xn = xb / jnp.clip(nrm, 1e-12)

        bv = jnp.full((TOK, 128), -jnp.inf, dtype=jnp.float32)
        bg = jnp.zeros((TOK, 128), dtype=jnp.int32)
        for c in range(NKC):
            sim = jnp.dot(xn, cols_scr[c], preferred_element_type=jnp.float32)
            for g in range(GPC):
                v = sim[:, g * 128:(g + 1) * 128]
                upd = v > bv
                bv = jnp.where(upd, v, bv)
                bg = jnp.where(upd, c * GPC + g, bg)

        lane = lax.broadcasted_iota(jnp.int32, (TOK, 128), 1)
        gidx = bg * 128 + lane
        m = jnp.max(bv, axis=1, keepdims=True)
        cand = jnp.where(bv == m, gidx, K)
        idx_ref[...] = jnp.min(cand, axis=1).reshape(1, 1, TOK)


def _rot_kernel(x_ref, q_ref, out_ref, loss_ref):
    i = pl.program_id(0)
    xb = x_ref[...]
    q = q_ref[...]
    a = jnp.sum(xb * xb, axis=1, keepdims=True)
    bq = jnp.sum(xb * q, axis=1, keepdims=True)
    c = jnp.sum(q * q, axis=1, keepdims=True)
    rinv = 1.0 / jnp.clip(jnp.sqrt(a), 1e-12)
    eu = a * rinv * rinv
    eq = bq * rinv
    ss = eu + 2.0 * eq + c
    winv = 1.0 / jnp.clip(jnp.sqrt(ss), 1e-6)
    eww = (eu + eq) * winv * winv
    alpha = rinv * (1.0 - 2.0 * eww)
    beta = 2.0 * (eu - eww)
    out_ref[...] = alpha * xb + beta * q
    part = (jnp.sum(eu - 2.0 * eq + c, axis=(0, 1), keepdims=True)
            * (1.25 / (BN * DIM)))

    @pl.when(i == 0)
    def _():
        loss_ref[...] = jnp.zeros_like(part)

    loss_ref[...] += part


@functools.lru_cache(maxsize=1)
def _make_gather():
    mesh = plsc.VectorSubcoreMesh(
        core_axis_name="c", subcore_axis_name="s",
        num_cores=NC, num_subcores=NS)

    @functools.partial(
        pl.kernel,
        mesh=mesh,
        out_type=jax.ShapeDtypeStruct((NW, NCH, CH, DIM), jnp.float32),
        scratch_types=[
            pltpu.VMEM((NCH, CH), jnp.int32),
            pltpu.VMEM((NCH, CH, DIM), jnp.float32),
            pltpu.SemaphoreType.DMA,
        ],
    )
    def _gather_body(table_hbm, idx_hbm, out_hbm, idx_v, rows_v, sem):
        wid = lax.axis_index("s") * NC + lax.axis_index("c")
        pltpu.sync_copy(idx_hbm.at[wid], idx_v)
        copies = [
            pltpu.async_copy(table_hbm.at[idx_v.at[j]], rows_v.at[j], sem)
            for j in range(NCH)
        ]
        for c in copies:
            c.wait()
        pltpu.sync_copy(rows_v, out_hbm.at[wid])

    return _gather_body


def _gather_kernel(table, idx3):
    return _make_gather()(table, idx3)


def kernel(x, frozen_codebook, W):
    b, n, d = x.shape
    xf = x.reshape(b * n, d)

    rows, idx3 = pl.pallas_call(
        _assign_kernel,
        grid=(NKC + NTT,),
        in_specs=[
            pl.BlockSpec((KT, DIM), lambda i: (jnp.minimum(i, NKC - 1), 0)),
            pl.BlockSpec((DIM, DIM), lambda i: (0, 0)),
            pl.BlockSpec((TOK, DIM), lambda i: (jnp.maximum(i - NKC, 0), 0)),
        ],
        out_specs=[
            pl.BlockSpec((KT, DIM), lambda i: (jnp.minimum(i, NKC - 1), 0)),
            pl.BlockSpec((1, 1, TOK), lambda i: (jnp.maximum(i - NKC, 0), 0, 0)),
        ],
        out_shape=[
            jax.ShapeDtypeStruct((K, DIM), jnp.float32),
            jax.ShapeDtypeStruct((NTT, 1, TOK), jnp.int32),
        ],
        scratch_shapes=[pltpu.VMEM((NKC, DIM, KT), jnp.float32)],
    )(frozen_codebook, W, xf)

    indices = idx3.reshape(BN)
    quant = _gather_kernel(rows, indices.reshape(NW, NCH, CH))
    qf = quant.reshape(BN, DIM)

    rot, loss = pl.pallas_call(
        _rot_kernel,
        grid=(BN // TOK4,),
        in_specs=[
            pl.BlockSpec((TOK4, DIM), lambda i: (i, 0)),
            pl.BlockSpec((TOK4, DIM), lambda i: (i, 0)),
        ],
        out_specs=[
            pl.BlockSpec((TOK4, DIM), lambda i: (i, 0)),
            pl.BlockSpec((1, 1), lambda i: (0, 0)),
        ],
        out_shape=[
            jax.ShapeDtypeStruct((BN, DIM), jnp.float32),
            jax.ShapeDtypeStruct((1, 1), jnp.float32),
        ],
    )(xf, qf)

    return rot.reshape(b, n, d), indices.reshape(b, n), loss.reshape(())

# --- scband reference (transcript-rebuilt; emitter-appended) ---
"""Pipeline reference for scband-cos-sim-vq-79525614452863 (READ-ONLY COPY).

The authoritative reference and input builder live on the scoring server;
editing this copy changes nothing except your own understanding.
"""

import jax, jax.numpy as jnp
import numpy as np

B, N, DIM = 16, 576, 256
CODEBOOK_SIZE = 8192


def l2norm(t, eps=1e-12):
    n = jnp.linalg.norm(t, axis=-1, keepdims=True)
    return t / jnp.clip(n, eps)


def safe_div(num, den, eps=1e-6):
    return num / jnp.clip(den, eps)


def setup_inputs(seed: int = 0) -> dict:
    key = jax.random.key(seed)
    k1, k2, k3 = jax.random.split(key, 3)
    x = jax.random.normal(k1, (B, N, DIM), dtype=jnp.float32)
    frozen_codebook = jax.random.normal(k2, (CODEBOOK_SIZE, DIM), dtype=jnp.float32) * DIM ** (-0.5)
    bound = 1.0 / np.sqrt(DIM)
    W = jax.random.uniform(k3, (DIM, DIM), dtype=jnp.float32, minval=-bound, maxval=bound)
    return {"x": x, "frozen_codebook": frozen_codebook, "W": W}


def rotate_to(src, tgt):
    # rotation trick (https://arxiv.org/abs/2410.06424); src, tgt: [M, d]
    norm_src = jnp.linalg.norm(src, axis=-1, keepdims=True)
    norm_tgt = jnp.linalg.norm(tgt, axis=-1, keepdims=True)
    u = safe_div(src, norm_src)
    q = safe_div(tgt, norm_tgt)
    w = jax.lax.stop_gradient(l2norm(u + q, eps=1e-6))
    e = src
    rotated = (e
               - 2.0 * jnp.sum(e * w, axis=-1, keepdims=True) * w
               + 2.0 * jnp.sum(e * jax.lax.stop_gradient(u), axis=-1, keepdims=True) * q)
    rotated = rotated * jax.lax.stop_gradient(safe_div(norm_tgt, norm_src))
    return rotated


def reference(x, frozen_codebook, W):
    b, n, d = x.shape
    # channel_first=False, input already [b, n, d] so pack_one is identity
    x_norm = l2norm(x)
    # implicit codebook: Linear(dim, dim, bias=False) applied to frozen codebook
    implicit_cb = frozen_codebook @ W.T
    implicit_cb_norm = l2norm(implicit_cb)
    # nearest code by cosine similarity (no grad through search)
    similarity = jax.lax.stop_gradient(x_norm @ implicit_cb_norm.T)  # [b, n, K]
    indices = jnp.argmax(similarity, axis=-1)  # [b, n] int
    quantized = jnp.take(implicit_cb_norm, indices, axis=0)  # [b, n, d]
    commit_loss = (jnp.mean((jax.lax.stop_gradient(x_norm) - quantized) ** 2)
                   + jnp.mean((x_norm - jax.lax.stop_gradient(quantized)) ** 2) * 0.25)
    # rotation_trick=True
    src = x_norm.reshape(b * n, d)
    tgt = quantized.reshape(b * n, d)
    rotated = rotate_to(src, tgt).reshape(b, n, d)
    commitment_weight = 1.0
    return rotated, indices, commit_loss * commitment_weight

if __name__ == "__main__":
    import jax
    _d = setup_inputs()
    print(jax.jit(kernel)(*tuple(_d.values())))

</pallas_src>

<mosaic_0001>
#map = affine_map<(d0, d1) -> (0, 0)>
#map1 = affine_map<(d0, d1) -> (0, 0, 0)>
#map2 = affine_map<(d0, d1) -> (0, 0, 0, 0)>
module attributes {stable_mosaic.version = 14 : i64} {
  func.func @_gather_body(%arg0: i32, %arg1: i32, %arg2: memref<8192x256xf32, #tpu.memory_space<hbm>>, %arg3: memref<32x3x96xi32, #tpu.memory_space<hbm>>, %arg4: memref<32x3x96x256xf32, #tpu.memory_space<hbm>>, %arg5: memref<3x96xi32, #tpu.memory_space<vmem>>, %arg6: memref<3x96x256xf32, #tpu.memory_space<vmem>>, %arg7: memref<!tpu.dma_semaphore, #tpu.memory_space<semaphore_mem>>) attributes {dimension_semantics = [#tpu.dimension_semantics<core_parallel>, #tpu.dimension_semantics<subcore_parallel>], iteration_bounds = array<i64: 2, 16>, scalar_prefetch = 0 : i64, scratch_operands = 3 : i64, tpu.core_type = #tpu.core_type<sc_vector_subcore>, window_params = [{transform_indices = #map}, {transform_indices = #map1}, {transform_indices = #map2}]} {
    %mul3A = arith.constant 2 : i32
    %mul3A_0 = arith.muli %arg1, %mul3A : i32
    %add3A = arith.addi %mul3A_0, %arg0 : i32
    "tpu.region"() ({
      %run_scoped3A = tpu.sem_alloc : memref<!tpu.dma_semaphore, #tpu.memory_space<semaphore_mem>>
      %dma_start3A_71 = arith.constant 0 : i32
      %dma_start3A_72 = arith.constant 0 : i32
      %dma_start3A_73 = tpu.memref_slice %arg3[%add3A, %dma_start3A_71, %dma_start3A_72] : memref<32x3x96xi32, #tpu.memory_space<hbm>> -> memref<1x3x96xi32, #tpu.memory_space<hbm>>
      %dma_start3A_74 = tpu.memref_squeeze %dma_start3A_73 : memref<1x3x96xi32, #tpu.memory_space<hbm>> -> memref<3x96xi32, #tpu.memory_space<hbm>>
      %dma_start3A_75 = arith.constant 0 : i32
      %dma_start3A_76 = arith.constant 0 : i32
      %dma_start3A_77 = tpu.memref_slice %arg3[%add3A, %dma_start3A_75, %dma_start3A_76] : memref<32x3x96xi32, #tpu.memory_space<hbm>> -> memref<1x3x96xi32, #tpu.memory_space<hbm>>
      %dma_start3A_78 = tpu.memref_squeeze %dma_start3A_77 : memref<1x3x96xi32, #tpu.memory_space<hbm>> -> memref<3x96xi32, #tpu.memory_space<hbm>>
      tpu.enqueue_dma source(%dma_start3A_78 : memref<3x96xi32, #tpu.memory_space<hbm>>) target(%arg5 : memref<3x96xi32, #tpu.memory_space<vmem>>) target_semaphore(%run_scoped3A : memref<!tpu.dma_semaphore, #tpu.memory_space<semaphore_mem>>)
      %dma_wait3A_79 = arith.constant 0 : i32
      %dma_wait3A_80 = arith.constant 0 : i32
      %dma_wait3A_81 = tpu.memref_slice %arg3[%add3A, %dma_wait3A_79, %dma_wait3A_80] : memref<32x3x96xi32, #tpu.memory_space<hbm>> -> memref<1x3x96xi32, #tpu.memory_space<hbm>>
      %dma_wait3A_82 = tpu.memref_squeeze %dma_wait3A_81 : memref<1x3x96xi32, #tpu.memory_space<hbm>> -> memref<3x96xi32, #tpu.memory_space<hbm>>
      %dma_wait3A_83 = arith.constant 0 : i32
      %dma_wait3A_84 = arith.constant 0 : i32
      %dma_wait3A_85 = tpu.memref_slice %arg3[%add3A, %dma_wait3A_83, %dma_wait3A_84] : memref<32x3x96xi32, #tpu.memory_space<hbm>> -> memref<1x3x96xi32, #tpu.memory_space<hbm>>
      %dma_wait3A_86 = tpu.memref_squeeze %dma_wait3A_85 : memref<1x3x96xi32, #tpu.memory_space<hbm>> -> memref<3x96xi32, #tpu.memory_space<hbm>>
      tpu.wait_dma2 semaphore(%run_scoped3A : memref<!tpu.dma_semaphore, #tpu.memory_space<semaphore_mem>>) src(%dma_wait3A_86 : memref<3x96xi32, #tpu.memory_space<hbm>>) dst(%arg5 : memref<3x96xi32, #tpu.memory_space<vmem>>)
      tpu.yield
    }) : () -> ()
    %dma_start3A = arith.constant 0 : i32
    %dma_start3A_1 = arith.constant 0 : i32
    %dma_start3A_2 = arith.constant 0 : i32
    %dma_start3A_3 = arith.constant 0 : i32
    %dma_start3A_4 = tpu.memref_slice %arg6[%dma_start3A_1, %dma_start3A_2, %dma_start3A_3] : memref<3x96x256xf32, #tpu.memory_space<vmem>> -> memref<1x96x256xf32, #tpu.memory_space<vmem>>
    %dma_start3A_5 = tpu.memref_squeeze %dma_start3A_4 : memref<1x96x256xf32, #tpu.memory_space<vmem>> -> memref<96x256xf32, #tpu.memory_space<vmem>>
    %dma_start3A_6 = arith.constant 0 : i32
    %dma_start3A_7 = tpu.memref_slice %arg5[%dma_start3A, %dma_start3A_6] : memref<3x96xi32, #tpu.memory_space<vmem>> -> memref<1x96xi32, #tpu.memory_space<vmem>>
    %dma_start3A_8 = tpu.memref_squeeze %dma_start3A_7 : memref<1x96xi32, #tpu.memory_space<vmem>> -> memref<96xi32, #tpu.memory_space<vmem>>
    %dma_start3A_9 = arith.constant 0 : i32
    %dma_start3A_10 = arith.constant 0 : i32
    %dma_start3A_11 = tpu.memref_slice %arg2[%dma_start3A_9, %dma_start3A_10] : memref<8192x256xf32, #tpu.memory_space<hbm>> -> memref<8192x256xf32, #tpu.memory_space<hbm>>
    tpu.enqueue_indirect_dma source(%dma_start3A_11 : memref<8192x256xf32, #tpu.memory_space<hbm>>) target(%dma_start3A_5 : memref<96x256xf32, #tpu.memory_space<vmem>>) offsets(%dma_start3A_8 : memref<96xi32, #tpu.memory_space<vmem>>) semaphore(%arg7 : memref<!tpu.dma_semaphore, #tpu.memory_space<semaphore_mem>>)
    %dma_start3A_12 = arith.constant 1 : i32
    %dma_start3A_13 = arith.constant 1 : i32
    %dma_start3A_14 = arith.constant 0 : i32
    %dma_start3A_15 = arith.constant 0 : i32
    %dma_start3A_16 = tpu.memref_slice %arg6[%dma_start3A_13, %dma_start3A_14, %dma_start3A_15] : memref<3x96x256xf32, #tpu.memory_space<vmem>> -> memref<1x96x256xf32, #tpu.memory_space<vmem>>
    %dma_start3A_17 = tpu.memref_squeeze %dma_start3A_16 : memref<1x96x256xf32, #tpu.memory_space<vmem>> -> memref<96x256xf32, #tpu.memory_space<vmem>>
    %dma_start3A_18 = arith.constant 0 : i32
    %dma_start3A_19 = tpu.memref_slice %arg5[%dma_start3A_12, %dma_start3A_18] : memref<3x96xi32, #tpu.memory_space<vmem>> -> memref<1x96xi32, #tpu.memory_space<vmem>>
    %dma_start3A_20 = tpu.memref_squeeze %dma_start3A_19 : memref<1x96xi32, #tpu.memory_space<vmem>> -> memref<96xi32, #tpu.memory_space<vmem>>
    %dma_start3A_21 = arith.constant 0 : i32
    %dma_start3A_22 = arith.constant 0 : i32
    %dma_start3A_23 = tpu.memref_slice %arg2[%dma_start3A_21, %dma_start3A_22] : memref<8192x256xf32, #tpu.memory_space<hbm>> -> memref<8192x256xf32, #tpu.memory_space<hbm>>
    tpu.enqueue_indirect_dma source(%dma_start3A_23 : memref<8192x256xf32, #tpu.memory_space<hbm>>) target(%dma_start3A_17 : memref<96x256xf32, #tpu.memory_space<vmem>>) offsets(%dma_start3A_20 : memref<96xi32, #tpu.memory_space<vmem>>) semaphore(%arg7 : memref<!tpu.dma_semaphore, #tpu.memory_space<semaphore_mem>>)
    %dma_start3A_24 = arith.constant 2 : i32
    %dma_start3A_25 = arith.constant 2 : i32
    %dma_start3A_26 = arith.constant 0 : i32
    %dma_start3A_27 = arith.constant 0 : i32
    %dma_start3A_28 = tpu.memref_slice %arg6[%dma_start3A_25, %dma_start3A_26, %dma_start3A_27] : memref<3x96x256xf32, #tpu.memory_space<vmem>> -> memref<1x96x256xf32, #tpu.memory_space<vmem>>
    %dma_start3A_29 = tpu.memref_squeeze %dma_start3A_28 : memref<1x96x256xf32, #tpu.memory_space<vmem>> -> memref<96x256xf32, #tpu.memory_space<vmem>>
    %dma_start3A_30 = arith.constant 0 : i32
    %dma_start3A_31 = tpu.memref_slice %arg5[%dma_start3A_24, %dma_start3A_30] : memref<3x96xi32, #tpu.memory_space<vmem>> -> memref<1x96xi32, #tpu.memory_space<vmem>>
    %dma_start3A_32 = tpu.memref_squeeze %dma_start3A_31 : memref<1x96xi32, #tpu.memory_space<vmem>> -> memref<96xi32, #tpu.memory_space<vmem>>
    %dma_start3A_33 = arith.constant 0 : i32
    %dma_start3A_34 = arith.constant 0 : i32
    %dma_start3A_35 = tpu.memref_slice %arg2[%dma_start3A_33, %dma_start3A_34] : memref<8192x256xf32, #tpu.memory_space<hbm>> -> memref<8192x256xf32, #tpu.memory_space<hbm>>
    tpu.enqueue_indirect_dma source(%dma_start3A_35 : memref<8192x256xf32, #tpu.memory_space<hbm>>) target(%dma_start3A_29 : memref<96x256xf32, #tpu.memory_space<vmem>>) offsets(%dma_start3A_32 : memref<96xi32, #tpu.memory_space<vmem>>) semaphore(%arg7 : memref<!tpu.dma_semaphore, #tpu.memory_space<semaphore_mem>>)
    %dma_wait3A = arith.constant 0 : i32
    %dma_wait3A_36 = arith.constant 0 : i32
    %dma_wait3A_37 = arith.constant 0 : i32
    %dma_wait3A_38 = arith.constant 0 : i32
    %dma_wait3A_39 = tpu.memref_slice %arg6[%dma_wait3A_36, %dma_wait3A_37, %dma_wait3A_38] : memref<3x96x256xf32, #tpu.memory_space<vmem>> -> memref<1x96x256xf32, #tpu.memory_space<vmem>>
    %dma_wait3A_40 = tpu.memref_squeeze %dma_wait3A_39 : memref<1x96x256xf32, #tpu.memory_space<vmem>> -> memref<96x256xf32, #tpu.memory_space<vmem>>
    %dma_wait3A_41 = arith.constant 0 : i32
    %dma_wait3A_42 = tpu.memref_slice %arg5[%dma_wait3A, %dma_wait3A_41] : memref<3x96xi32, #tpu.memory_space<vmem>> -> memref<1x96xi32, #tpu.memory_space<vmem>>
    %dma_wait3A_43 = tpu.memref_squeeze %dma_wait3A_42 : memref<1x96xi32, #tpu.memory_space<vmem>> -> memref<96xi32, #tpu.memory_space<vmem>>
    %dma_wait3A_44 = arith.constant 0 : i32
    %dma_wait3A_45 = arith.constant 0 : i32
    %dma_wait3A_46 = tpu.memref_slice %arg2[%dma_wait3A_44, %dma_wait3A_45] : memref<8192x256xf32, #tpu.memory_space<hbm>> -> memref<8192x256xf32, #tpu.memory_space<hbm>>
    tpu.wait_indirect_dma semaphore(%arg7 : memref<!tpu.dma_semaphore, #tpu.memory_space<semaphore_mem>>) src(%dma_wait3A_46 : memref<8192x256xf32, #tpu.memory_space<hbm>>) dst(%dma_wait3A_40 : memref<96x256xf32, #tpu.memory_space<vmem>>)
    %dma_wait3A_47 = arith.constant 1 : i32
    %dma_wait3A_48 = arith.constant 1 : i32
    %dma_wait3A_49 = arith.constant 0 : i32
    %dma_wait3A_50 = arith.constant 0 : i32
    %dma_wait3A_51 = tpu.memref_slice %arg6[%dma_wait3A_48, %dma_wait3A_49, %dma_wait3A_50] : memref<3x96x256xf32, #tpu.memory_space<vmem>> -> memref<1x96x256xf32, #tpu.memory_space<vmem>>
    %dma_wait3A_52 = tpu.memref_squeeze %dma_wait3A_51 : memref<1x96x256xf32, #tpu.memory_space<vmem>> -> memref<96x256xf32, #tpu.memory_space<vmem>>
    %dma_wait3A_53 = arith.constant 0 : i32
    %dma_wait3A_54 = tpu.memref_slice %arg5[%dma_wait3A_47, %dma_wait3A_53] : memref<3x96xi32, #tpu.memory_space<vmem>> -> memref<1x96xi32, #tpu.memory_space<vmem>>
    %dma_wait3A_55 = tpu.memref_squeeze %dma_wait3A_54 : memref<1x96xi32, #tpu.memory_space<vmem>> -> memref<96xi32, #tpu.memory_space<vmem>>
    %dma_wait3A_56 = arith.constant 0 : i32
    %dma_wait3A_57 = arith.constant 0 : i32
    %dma_wait3A_58 = tpu.memref_slice %arg2[%dma_wait3A_56, %dma_wait3A_57] : memref<8192x256xf32, #tpu.memory_space<hbm>> -> memref<8192x256xf32, #tpu.memory_space<hbm>>
    tpu.wait_indirect_dma semaphore(%arg7 : memref<!tpu.dma_semaphore, #tpu.memory_space<semaphore_mem>>) src(%dma_wait3A_58 : memref<8192x256xf32, #tpu.memory_space<hbm>>) dst(%dma_wait3A_52 : memref<96x256xf32, #tpu.memory_space<vmem>>)
    %dma_wait3A_59 = arith.constant 2 : i32
    %dma_wait3A_60 = arith.constant 2 : i32
    %dma_wait3A_61 = arith.constant 0 : i32
    %dma_wait3A_62 = arith.constant 0 : i32
    %dma_wait3A_63 = tpu.memref_slice %arg6[%dma_wait3A_60, %dma_wait3A_61, %dma_wait3A_62] : memref<3x96x256xf32, #tpu.memory_space<vmem>> -> memref<1x96x256xf32, #tpu.memory_space<vmem>>
    %dma_wait3A_64 = tpu.memref_squeeze %dma_wait3A_63 : memref<1x96x256xf32, #tpu.memory_space<vmem>> -> memref<96x256xf32, #tpu.memory_space<vmem>>
    %dma_wait3A_65 = arith.constant 0 : i32
    %dma_wait3A_66 = tpu.memref_slice %arg5[%dma_wait3A_59, %dma_wait3A_65] : memref<3x96xi32, #tpu.memory_space<vmem>> -> memref<1x96xi32, #tpu.memory_space<vmem>>
    %dma_wait3A_67 = tpu.memref_squeeze %dma_wait3A_66 : memref<1x96xi32, #tpu.memory_space<vmem>> -> memref<96xi32, #tpu.memory_space<vmem>>
    %dma_wait3A_68 = arith.constant 0 : i32
    %dma_wait3A_69 = arith.constant 0 : i32
    %dma_wait3A_70 = tpu.memref_slice %arg2[%dma_wait3A_68, %dma_wait3A_69] : memref<8192x256xf32, #tpu.memory_space<hbm>> -> memref<8192x256xf32, #tpu.memory_space<hbm>>
    tpu.wait_indirect_dma semaphore(%arg7 : memref<!tpu.dma_semaphore, #tpu.memory_space<semaphore_mem>>) src(%dma_wait3A_70 : memref<8192x256xf32, #tpu.memory_space<hbm>>) dst(%dma_wait3A_64 : memref<96x256xf32, #tpu.memory_space<vmem>>)
    "tpu.region"() ({
      %run_scoped3A = tpu.sem_alloc : memref<!tpu.dma_semaphore, #tpu.memory_space<semaphore_mem>>
      %dma_start3A_71 = arith.constant 0 : i32
      %dma_start3A_72 = arith.constant 0 : i32
      %dma_start3A_73 = arith.constant 0 : i32
      %dma_start3A_74 = tpu.memref_slice %arg4[%add3A, %dma_start3A_71, %dma_start3A_72, %dma_start3A_73] : memref<32x3x96x256xf32, #tpu.memory_space<hbm>> -> memref<1x3x96x256xf32, #tpu.memory_space<hbm>>
      %dma_start3A_75 = tpu.memref_squeeze %dma_start3A_74 : memref<1x3x96x256xf32, #tpu.memory_space<hbm>> -> memref<3x96x256xf32, #tpu.memory_space<hbm>>
      %dma_start3A_76 = arith.constant 0 : i32
      %dma_start3A_77 = arith.constant 0 : i32
      %dma_start3A_78 = arith.constant 0 : i32
      %dma_start3A_79 = tpu.memref_slice %arg4[%add3A, %dma_start3A_76, %dma_start3A_77, %dma_start3A_78] : memref<32x3x96x256xf32, #tpu.memory_space<hbm>> -> memref<1x3x96x256xf32, #tpu.memory_space<hbm>>
      %dma_start3A_80 = tpu.memref_squeeze %dma_start3A_79 : memref<1x3x96x256xf32, #tpu.memory_space<hbm>> -> memref<3x96x256xf32, #tpu.memory_space<hbm>>
      tpu.enqueue_dma source(%arg6 : memref<3x96x256xf32, #tpu.memory_space<vmem>>) target(%dma_start3A_80 : memref<3x96x256xf32, #tpu.memory_space<hbm>>) target_semaphore(%run_scoped3A : memref<!tpu.dma_semaphore, #tpu.memory_space<semaphore_mem>>)
      %dma_wait3A_81 = arith.constant 0 : i32
      %dma_wait3A_82 = arith.constant 0 : i32
      %dma_wait3A_83 = arith.constant 0 : i32
      %dma_wait3A_84 = tpu.memref_slice %arg4[%add3A, %dma_wait3A_81, %dma_wait3A_82, %dma_wait3A_83] : memref<32x3x96x256xf32, #tpu.memory_space<hbm>> -> memref<1x3x96x256xf32, #tpu.memory_space<hbm>>
      %dma_wait3A_85 = tpu.memref_squeeze %dma_wait3A_84 : memref<1x3x96x256xf32, #tpu.memory_space<hbm>> -> memref<3x96x256xf32, #tpu.memory_space<hbm>>
      %dma_wait3A_86 = arith.constant 0 : i32
      %dma_wait3A_87 = arith.constant 0 : i32
      %dma_wait3A_88 = arith.constant 0 : i32
      %dma_wait3A_89 = tpu.memref_slice %arg4[%add3A, %dma_wait3A_86, %dma_wait3A_87, %dma_wait3A_88] : memref<32x3x96x256xf32, #tpu.memory_space<hbm>> -> memref<1x3x96x256xf32, #tpu.memory_space<hbm>>
      %dma_wait3A_90 = tpu.memref_squeeze %dma_wait3A_89 : memref<1x3x96x256xf32, #tpu.memory_space<hbm>> -> memref<3x96x256xf32, #tpu.memory_space<hbm>>
      tpu.wait_dma2 semaphore(%run_scoped3A : memref<!tpu.dma_semaphore, #tpu.memory_space<semaphore_mem>>) src(%arg6 : memref<3x96x256xf32, #tpu.memory_space<vmem>>) dst(%dma_wait3A_90 : memref<3x96x256xf32, #tpu.memory_space<hbm>>)
      tpu.yield
    }) : () -> ()
    return
  }
}

module attributes {stable_mosaic.version = 14 : i64} {
  func.func @_rot_kernel(%arg0: i32, %arg1: memref<1152x256xf32, #tpu.memory_space<vmem>>, %arg2: memref<1152x256xf32, #tpu.memory_space<vmem>>, %arg3: memref<1152x256xf32, #tpu.memory_space<vmem>>, %arg4: memref<1x1xf32, #tpu.memory_space<vmem>>) attributes {dimension_semantics = [#tpu.dimension_semantics<arbitrary>], iteration_bounds = array<i64: 8>, scalar_prefetch = 0 : i64, scratch_operands = 0 : i64, tpu.core_type = #tpu.core_type<tc>, window_params = [{transform_indices = @transform_0, window_bounds = array<i64: 1152, 256>}, {transform_indices = @transform_1, window_bounds = array<i64: 1152, 256>}, {transform_indices = @transform_2, window_bounds = array<i64: 1152, 256>}, {pipeline_mode = #tpu.pipeline_mode<synchronous>, transform_indices = @transform_3, window_bounds = array<i64: 1, 1>}]} {
    %get3A = arith.constant 0 : index
    %get3A_0 = arith.constant 0 : index
    %get3A_1 = vector.load %arg1[%get3A, %get3A_0] : memref<1152x256xf32, #tpu.memory_space<vmem>>, vector<1152x256xf32>
    %get3A_2 = arith.constant 0 : index
    %get3A_3 = arith.constant 0 : index
    %get3A_4 = vector.load %arg2[%get3A_2, %get3A_3] : memref<1152x256xf32, #tpu.memory_space<vmem>>, vector<1152x256xf32>
    %mul3A = arith.mulf %get3A_1, %get3A_1 : vector<1152x256xf32>
    %reduce_sum3A = arith.constant dense<0.000000e+00> : vector<1152xf32>
    %reduce_sum3A_5 = vector.multi_reduction <add>, %mul3A, %reduce_sum3A [1] : vector<1152x256xf32> to vector<1152xf32>
    %broadcast_in_dim3A = vector.shape_cast %reduce_sum3A_5 : vector<1152xf32> to vector<1152x1xf32>
    %mul3A_6 = arith.mulf %get3A_1, %get3A_4 : vector<1152x256xf32>
    %reduce_sum3A_7 = arith.constant dense<0.000000e+00> : vector<1152xf32>
    %reduce_sum3A_8 = vector.multi_reduction <add>, %mul3A_6, %reduce_sum3A_7 [1] : vector<1152x256xf32> to vector<1152xf32>
    %broadcast_in_dim3A_9 = vector.shape_cast %reduce_sum3A_8 : vector<1152xf32> to vector<1152x1xf32>
    %mul3A_10 = arith.mulf %get3A_4, %get3A_4 : vector<1152x256xf32>
    %reduce_sum3A_11 = arith.constant dense<0.000000e+00> : vector<1152xf32>
    %reduce_sum3A_12 = vector.multi_reduction <add>, %mul3A_10, %reduce_sum3A_11 [1] : vector<1152x256xf32> to vector<1152xf32>
    %broadcast_in_dim3A_13 = vector.shape_cast %reduce_sum3A_12 : vector<1152xf32> to vector<1152x1xf32>
    %sqrt3A = math.sqrt %broadcast_in_dim3A : vector<1152x1xf32>
    %jit3A = arith.constant 9.99999996E-13 : f32
    %max3A = vector.broadcast %jit3A : f32 to vector<1152x1xf32>
    %max3A_14 = arith.maximumf %max3A, %sqrt3A : vector<1152x1xf32>
    %div3A = arith.constant 1.000000e+00 : f32
    %div3A_15 = vector.broadcast %div3A : f32 to vector<1152x1xf32>
    %div3A_16 = arith.divf %div3A_15, %max3A_14 : vector<1152x1xf32>
    %mul3A_17 = arith.mulf %broadcast_in_dim3A, %div3A_16 : vector<1152x1xf32>
    %mul3A_18 = arith.mulf %mul3A_17, %div3A_16 : vector<1152x1xf32>
    %mul3A_19 = arith.mulf %broadcast_in_dim3A_9, %div3A_16 : vector<1152x1xf32>
    %mul3A_20 = arith.constant 2.000000e+00 : f32
    %mul3A_21 = vector.broadcast %mul3A_20 : f32 to vector<1152x1xf32>
    %mul3A_22 = arith.mulf %mul3A_21, %mul3A_19 : vector<1152x1xf32>
    %add3A = arith.addf %mul3A_18, %mul3A_22 : vector<1152x1xf32>
    %add3A_23 = arith.addf %add3A, %broadcast_in_dim3A_13 : vector<1152x1xf32>
    %sqrt3A_24 = math.sqrt %add3A_23 : vector<1152x1xf32>
    %jit3A_25 = arith.constant 9.99999997E-7 : f32
    %max3A_26 = vector.broadcast %jit3A_25 : f32 to vector<1152x1xf32>
    %max3A_27 = arith.maximumf %max3A_26, %sqrt3A_24 : vector<1152x1xf32>
    %div3A_28 = arith.constant 1.000000e+00 : f32
    %div3A_29 = vector.broadcast %div3A_28 : f32 to vector<1152x1xf32>
    %div3A_30 = arith.divf %div3A_29, %max3A_27 : vector<1152x1xf32>
    %add3A_31 = arith.addf %mul3A_18, %mul3A_19 : vector<1152x1xf32>
    %mul3A_32 = arith.mulf %add3A_31, %div3A_30 : vector<1152x1xf32>
    %mul3A_33 = arith.mulf %mul3A_32, %div3A_30 : vector<1152x1xf32>
    %mul3A_34 = arith.constant 2.000000e+00 : f32
    %mul3A_35 = vector.broadcast %mul3A_34 : f32 to vector<1152x1xf32>
    %mul3A_36 = arith.mulf %mul3A_35, %mul3A_33 : vector<1152x1xf32>
    %sub3A = arith.constant 1.000000e+00 : f32
    %sub3A_37 = vector.broadcast %sub3A : f32 to vector<1152x1xf32>
    %sub3A_38 = arith.subf %sub3A_37, %mul3A_36 : vector<1152x1xf32>
    %mul3A_39 = arith.mulf %div3A_16, %sub3A_38 : vector<1152x1xf32>
    %sub3A_40 = arith.subf %mul3A_18, %mul3A_33 : vector<1152x1xf32>
    %mul3A_41 = arith.constant 2.000000e+00 : f32
    %mul3A_42 = vector.broadcast %mul3A_41 : f32 to vector<1152x1xf32>
    %mul3A_43 = arith.mulf %mul3A_42, %sub3A_40 : vector<1152x1xf32>
    %mul3A_44 = vector.broadcast %mul3A_39 : vector<1152x1xf32> to vector<1152x256xf32>
    %mul3A_45 = arith.mulf %mul3A_44, %get3A_1 : vector<1152x256xf32>
    %mul3A_46 = vector.broadcast %mul3A_43 : vector<1152x1xf32> to vector<1152x256xf32>
    %mul3A_47 = arith.mulf %mul3A_46, %get3A_4 : vector<1152x256xf32>
    %add3A_48 = arith.addf %mul3A_45, %mul3A_47 : vector<1152x256xf32>
    %swap3A = arith.constant 0 : index
    %swap3A_49 = arith.constant 0 : index
    %swap3A_50 = vector.load %arg3[%swap3A, %swap3A_49] : memref<1152x256xf32, #tpu.memory_space<vmem>>, vector<1152x256xf32>
    tpu.vector_store %arg3[%swap3A, %swap3A_49], %add3A_48 {strides = array<i32>} : memref<1152x256xf32, #tpu.memory_space<vmem>>, vector<1152x256xf32>,
    %mul3A_51 = arith.constant 2.000000e+00 : f32
    %mul3A_52 = vector.broadcast %mul3A_51 : f32 to vector<1152x1xf32>
    %mul3A_53 = arith.mulf %mul3A_52, %mul3A_19 : vector<1152x1xf32>
    %sub3A_54 = arith.subf %mul3A_18, %mul3A_53 : vector<1152x1xf32>
    %add3A_55 = arith.addf %sub3A_54, %broadcast_in_dim3A_13 : vector<1152x1xf32>
    %reduce_sum3A_56 = vector.shape_cast %add3A_55 : vector<1152x1xf32> to vector<1x1152x1xf32>
    %reduce_sum3A_57 = arith.constant dense<0.000000e+00> : vector<1xf32>
    %reduce_sum3A_58 = vector.multi_reduction <add>, %reduce_sum3A_56, %reduce_sum3A_57 [1, 2] : vector<1x1152x1xf32> to vector<1xf32>
    %reduce_sum3A_59 = vector.shape_cast %reduce_sum3A_58 : vector<1xf32> to vector<1x1x1xf32>
    %reduce_sum3A_60 = vector.extract %reduce_sum3A_59[0, 0, 0] : f32 from vector<1x1x1xf32>
    %broadcast_in_dim3A_61 = vector.broadcast %reduce_sum3A_60 : f32 to vector<1x1xf32>
    %mul3A_62 = arith.constant 5.2981909E-7 : f32
    %mul3A_63 = vector.broadcast %mul3A_62 : f32 to vector<1x1xf32>
    %mul3A_64 = arith.mulf %broadcast_in_dim3A_61, %mul3A_63 : vector<1x1xf32>
    %eq3A = arith.constant 0 : i32
    %eq3A_65 = arith.cmpi eq, %arg0, %eq3A : i32
    %convert_element_type3A = arith.extui %eq3A_65 : i1 to i32
    %cond3A = arith.constant 0 : i32
    %cond3A_66 = arith.cmpi ne, %convert_element_type3A, %cond3A : i32
    scf.if %cond3A_66 {
      %broadcast_in_dim3A_74 = arith.constant 0.000000e+00 : f32
      %broadcast_in_dim3A_75 = vector.broadcast %broadcast_in_dim3A_74 : f32 to vector<1x1xf32>
      %swap3A_76 = arith.constant 0 : index
      %swap3A_77 = arith.constant 0 : index
      %swap3A_78 = vector.load %arg4[%swap3A_76, %swap3A_77] : memref<1x1xf32, #tpu.memory_space<vmem>>, vector<1x1xf32>
      tpu.vector_store %arg4[%swap3A_76, %swap3A_77], %broadcast_in_dim3A_75 {strides = array<i32>} : memref<1x1xf32, #tpu.memory_space<vmem>>, vector<1x1xf32>,
    } else {
    }
    %get3A_67 = arith.constant 0 : index
    %get3A_68 = arith.constant 0 : index
    %get3A_69 = vector.load %arg4[%get3A_67, %get3A_68] : memref<1x1xf32, #tpu.memory_space<vmem>>, vector<1x1xf32>
    %add3A_70 = arith.addf %get3A_69, %mul3A_64 : vector<1x1xf32>
    %swap3A_71 = arith.constant 0 : index
    %swap3A_72 = arith.constant 0 : index
    %swap3A_73 = vector.load %arg4[%swap3A_71, %swap3A_72] : memref<1x1xf32, #tpu.memory_space<vmem>>, vector<1x1xf32>
    tpu.vector_store %arg4[%swap3A_71, %swap3A_72], %add3A_70 {strides = array<i32>} : memref<1x1xf32, #tpu.memory_space<vmem>>, vector<1x1xf32>,
    return
  }
  func.func @transform_0(%arg0: i32) -> (i32, i32) {
    %c0_i32 = arith.constant 0 : i32
    %c0_i32_0 = arith.constant 0 : i32
    return %arg0, %c0_i32 : i32, i32
  }
  func.func @transform_1(%arg0: i32) -> (i32, i32) {
    %c0_i32 = arith.constant 0 : i32
    %c0_i32_0 = arith.constant 0 : i32
    return %arg0, %c0_i32 : i32, i32
  }
  func.func @transform_2(%arg0: i32) -> (i32, i32) {
    %c0_i32 = arith.constant 0 : i32
    %c0_i32_0 = arith.constant 0 : i32
    return %arg0, %c0_i32 : i32, i32
  }
  func.func @transform_3(%arg0: i32) -> (i32, i32) {
    %c0_i32 = arith.constant 0 : i32
    %c0_i32_0 = arith.constant 0 : i32
    %c0_i32_1 = arith.constant 0 : i32
    return %c0_i32, %c0_i32_0 : i32, i32
  }
}

module attributes {stable_mosaic.version = 14 : i64} {
  func.func @_assign_kernel(%arg0: i32, %arg1: memref<2048x256xf32, #tpu.memory_space<vmem>>, %arg2: memref<256x256xf32, #tpu.memory_space<vmem>>, %arg3: memref<2304x256xf32, #tpu.memory_space<vmem>>, %arg4: memref<2048x256xf32, #tpu.memory_space<vmem>>, %arg5: memref<1x1x2304xi32, #tpu.memory_space<vmem>>, %arg6: memref<4x256x2048xf32, #tpu.memory_space<vmem>>) attributes {dimension_semantics = [#tpu.dimension_semantics<arbitrary>], iteration_bounds = array<i64: 8>, scalar_prefetch = 0 : i64, scratch_operands = 1 : i64, tpu.core_type = #tpu.core_type<tc>, window_params = [{transform_indices = @transform_0, window_bounds = array<i64: 2048, 256>}, {pipeline_mode = #tpu.pipeline_mode<synchronous>, transform_indices = @transform_1, window_bounds = array<i64: 256, 256>}, {transform_indices = @transform_2, window_bounds = array<i64: 2304, 256>}, {transform_indices = @transform_3, window_bounds = array<i64: 2048, 256>}, {transform_indices = @transform_4, window_bounds = array<i64: 1, 1, 2304>}]} {
    %lt3A = arith.constant 4 : i32
    %lt3A_0 = arith.cmpi slt, %arg0, %lt3A : i32
    %convert_element_type3A = arith.extui %lt3A_0 : i1 to i32
    %cond3A = arith.constant 0 : i32
    %cond3A_1 = arith.cmpi ne, %convert_element_type3A, %cond3A : i32
    scf.if %cond3A_1 {
      %get3A = arith.constant 0 : index
      %get3A_6 = arith.constant 0 : index
      %get3A_7 = vector.load %arg1[%get3A, %get3A_6] : memref<2048x256xf32, #tpu.memory_space<vmem>>, vector<2048x256xf32>
      %get3A_8 = arith.constant 0 : index
      %get3A_9 = arith.constant 0 : index
      %get3A_10 = vector.load %arg2[%get3A_8, %get3A_9] : memref<256x256xf32, #tpu.memory_space<vmem>>, vector<256x256xf32>
      %dot_general3A = arith.constant dense<0.000000e+00> : vector<2048x256xf32>
      %dot_general3A_11 = tpu.matmul %get3A_7, %get3A_10, %dot_general3A {dimension_numbers = #tpu.dot_dimension_numbers<[1], [1], [0], [0], [0, 0, 1, 0], [], []>, transpose_lhs_hint = false} : vector<2048x256xf32>, vector<256x256xf32>, vector<2048x256xf32> -> vector<2048x256xf32>
      %mul3A = arith.mulf %dot_general3A_11, %dot_general3A_11 : vector<2048x256xf32>
      %reduce_sum3A = arith.constant dense<0.000000e+00> : vector<2048xf32>
      %reduce_sum3A_12 = vector.multi_reduction <add>, %mul3A, %reduce_sum3A [1] : vector<2048x256xf32> to vector<2048xf32>
      %broadcast_in_dim3A = vector.shape_cast %reduce_sum3A_12 : vector<2048xf32> to vector<2048x1xf32>
      %sqrt3A = math.sqrt %broadcast_in_dim3A : vector<2048x1xf32>
      %jit3A = arith.constant 9.99999996E-13 : f32
      %max3A = vector.broadcast %jit3A : f32 to vector<2048x1xf32>
      %max3A_13 = arith.maximumf %max3A, %sqrt3A : vector<2048x1xf32>
      %div3A = arith.constant 1.000000e+00 : f32
      %div3A_14 = vector.broadcast %div3A : f32 to vector<2048x1xf32>
      %div3A_15 = arith.divf %div3A_14, %max3A_13 : vector<2048x1xf32>
      %mul3A_16 = vector.broadcast %div3A_15 : vector<2048x1xf32> to vector<2048x256xf32>
      %mul3A_17 = arith.mulf %dot_general3A_11, %mul3A_16 : vector<2048x256xf32>
      %swap3A = arith.constant 0 : index
      %swap3A_18 = arith.constant 0 : index
      %swap3A_19 = vector.load %arg4[%swap3A, %swap3A_18] : memref<2048x256xf32, #tpu.memory_space<vmem>>, vector<2048x256xf32>
      tpu.vector_store %arg4[%swap3A, %swap3A_18], %mul3A_17 {strides = array<i32>} : memref<2048x256xf32, #tpu.memory_space<vmem>>, vector<2048x256xf32>,
      %dot_general3A_20 = arith.constant dense<0.000000e+00> : vector<256x2048xf32>
      %dot_general3A_21 = tpu.matmul %get3A_10, %get3A_7, %dot_general3A_20 {dimension_numbers = #tpu.dot_dimension_numbers<[1], [1], [0], [0], [0, 0, 1, 0], [], []>, transpose_lhs_hint = false} : vector<256x256xf32>, vector<2048x256xf32>, vector<256x2048xf32> -> vector<256x2048xf32>
      %mul3A_22 = arith.mulf %dot_general3A_21, %dot_general3A_21 : vector<256x2048xf32>
      %reduce_sum3A_23 = arith.constant dense<0.000000e+00> : vector<2048xf32>
      %reduce_sum3A_24 = vector.multi_reduction <add>, %mul3A_22, %reduce_sum3A_23 [0] : vector<256x2048xf32> to vector<2048xf32>
      %broadcast_in_dim3A_25 = vector.shape_cast %reduce_sum3A_24 : vector<2048xf32> to vector<1x2048xf32>
      %sqrt3A_26 = math.sqrt %broadcast_in_dim3A_25 : vector<1x2048xf32>
      %jit3A_27 = arith.constant 9.99999996E-13 : f32
      %max3A_28 = vector.broadcast %jit3A_27 : f32 to vector<1x2048xf32>
      %max3A_29 = arith.maximumf %max3A_28, %sqrt3A_26 : vector<1x2048xf32>
      %div3A_30 = vector.broadcast %max3A_29 : vector<1x2048xf32> to vector<256x2048xf32>
      %div3A_31 = arith.divf %dot_general3A_21, %div3A_30 : vector<256x2048xf32>
      %min3A = arith.constant 3 : i32
      %min3A_32 = arith.minsi %arg0, %min3A : i32
      %swap3A_33 = arith.index_cast %min3A_32 : i32 to index
      %swap3A_34 = arith.constant 0 : index
      %swap3A_35 = arith.constant 0 : index
      %swap3A_36 = vector.load %arg6[%swap3A_33, %swap3A_34, %swap3A_35] : memref<4x256x2048xf32, #tpu.memory_space<vmem>>, vector<1x256x2048xf32>
      %swap3A_37 = vector.shape_cast %swap3A_36 : vector<1x256x2048xf32> to vector<256x2048xf32>
      %swap3A_38 = vector.shape_cast %div3A_31 : vector<256x2048xf32> to vector<1x256x2048xf32>
      tpu.vector_store %arg6[%swap3A_33, %swap3A_34, %swap3A_35], %swap3A_38 {strides = array<i32>} : memref<4x256x2048xf32, #tpu.memory_space<vmem>>, vector<1x256x2048xf32>,
    } else {
    }
    %ge3A = arith.constant 4 : i32
    %ge3A_2 = arith.cmpi sge, %arg0, %ge3A : i32
    %convert_element_type3A_3 = arith.extui %ge3A_2 : i1 to i32
    %cond3A_4 = arith.constant 0 : i32
    %cond3A_5 = arith.cmpi ne, %convert_element_type3A_3, %cond3A_4 : i32
    scf.if %cond3A_5 {
      %get3A = arith.constant 0 : index
      %get3A_6 = arith.constant 0 : index
      %get3A_7 = vector.load %arg3[%get3A, %get3A_6] : memref<2304x256xf32, #tpu.memory_space<vmem>>, vector<2304x256xf32>
      %mul3A = arith.mulf %get3A_7, %get3A_7 : vector<2304x256xf32>
      %reduce_sum3A = arith.constant dense<0.000000e+00> : vector<2304xf32>
      %reduce_sum3A_8 = vector.multi_reduction <add>, %mul3A, %reduce_sum3A [1] : vector<2304x256xf32> to vector<2304xf32>
      %broadcast_in_dim3A = vector.shape_cast %reduce_sum3A_8 : vector<2304xf32> to vector<2304x1xf32>
      %sqrt3A = math.sqrt %broadcast_in_dim3A : vector<2304x1xf32>
      %jit3A = arith.constant 9.99999996E-13 : f32
      %max3A = vector.broadcast %jit3A : f32 to vector<2304x1xf32>
      %max3A_9 = arith.maximumf %max3A, %sqrt3A : vector<2304x1xf32>
      %div3A = vector.broadcast %max3A_9 : vector<2304x1xf32> to vector<2304x256xf32>
      %div3A_10 = arith.divf %get3A_7, %div3A : vector<2304x256xf32>
      %broadcast_in_dim3A_11 = arith.constant 0xFF800000 : f32
      %broadcast_in_dim3A_12 = vector.broadcast %broadcast_in_dim3A_11 : f32 to vector<2304x128xf32>
      %broadcast_in_dim3A_13 = arith.constant 0 : i32
      %broadcast_in_dim3A_14 = vector.broadcast %broadcast_in_dim3A_13 : i32 to vector<2304x128xi32>
      %get3A_15 = arith.constant 0 : index
      %get3A_16 = arith.constant 0 : index
      %get3A_17 = arith.constant 0 : index
      %get3A_18 = vector.load %arg6[%get3A_15, %get3A_16, %get3A_17] : memref<4x256x2048xf32, #tpu.memory_space<vmem>>, vector<1x256x2048xf32>
      %get3A_19 = vector.shape_cast %get3A_18 : vector<1x256x2048xf32> to vector<256x2048xf32>
      %dot_general3A = arith.constant dense<0.000000e+00> : vector<2304x2048xf32>
      %dot_general3A_20 = tpu.matmul %div3A_10, %get3A_19, %dot_general3A {dimension_numbers = #tpu.dot_dimension_numbers<[1], [0], [0], [1], [0, 0, 1, 1], [], []>, transpose_lhs_hint = false} : vector<2304x256xf32>, vector<256x2048xf32>, vector<2304x2048xf32> -> vector<2304x2048xf32>
      %slice3A = vector.extract_strided_slice %dot_general3A_20 {offsets = [0, 0], sizes = [2304, 128], strides = [1, 1]} : vector<2304x2048xf32> to vector<2304x128xf32>
      %gt3A = arith.cmpf ogt, %slice3A, %broadcast_in_dim3A_12 : vector<2304x128xf32>
      %select_n3A = arith.select %gt3A, %slice3A, %broadcast_in_dim3A_12 : vector<2304x128xi1>, vector<2304x128xf32>
      %jit3A_21 = arith.constant 0 : i32
      %broadcast_in_dim3A_22 = vector.broadcast %jit3A_21 : i32 to vector<2304x128xi32>
      %select_n3A_23 = arith.select %gt3A, %broadcast_in_dim3A_22, %broadcast_in_dim3A_14 : vector<2304x128xi1>, vector<2304x128xi32>
      %slice3A_24 = vector.extract_strided_slice %dot_general3A_20 {offsets = [0, 128], sizes = [2304, 128], strides = [1, 1]} : vector<2304x2048xf32> to vector<2304x128xf32>
      %gt3A_25 = arith.cmpf ogt, %slice3A_24, %select_n3A : vector<2304x128xf32>
      %select_n3A_26 = arith.select %gt3A_25, %slice3A_24, %select_n3A : vector<2304x128xi1>, vector<2304x128xf32>
      %jit3A_27 = arith.constant 1 : i32
      %broadcast_in_dim3A_28 = vector.broadcast %jit3A_27 : i32 to vector<2304x128xi32>
      %select_n3A_29 = arith.select %gt3A_25, %broadcast_in_dim3A_28, %select_n3A_23 : vector<2304x128xi1>, vector<2304x128xi32>
      %slice3A_30 = vector.extract_strided_slice %dot_general3A_20 {offsets = [0, 256], sizes = [2304, 128], strides = [1, 1]} : vector<2304x2048xf32> to vector<2304x128xf32>
      %gt3A_31 = arith.cmpf ogt, %slice3A_30, %select_n3A_26 : vector<2304x128xf32>
      %select_n3A_32 = arith.select %gt3A_31, %slice3A_30, %select_n3A_26 : vector<2304x128xi1>, vector<2304x128xf32>
      %jit3A_33 = arith.constant 2 : i32
      %broadcast_in_dim3A_34 = vector.broadcast %jit3A_33 : i32 to vector<2304x128xi32>
      %select_n3A_35 = arith.select %gt3A_31, %broadcast_in_dim3A_34, %select_n3A_29 : vector<2304x128xi1>, vector<2304x128xi32>
      %slice3A_36 = vector.extract_strided_slice %dot_general3A_20 {offsets = [0, 384], sizes = [2304, 128], strides = [1, 1]} : vector<2304x2048xf32> to vector<2304x128xf32>
      %gt3A_37 = arith.cmpf ogt, %slice3A_36, %select_n3A_32 : vector<2304x128xf32>
      %select_n3A_38 = arith.select %gt3A_37, %slice3A_36, %select_n3A_32 : vector<2304x128xi1>, vector<2304x128xf32>
      %jit3A_39 = arith.constant 3 : i32
      %broadcast_in_dim3A_40 = vector.broadcast %jit3A_39 : i32 to vector<2304x128xi32>
      %select_n3A_41 = arith.select %gt3A_37, %broadcast_in_dim3A_40, %select_n3A_35 : vector<2304x128xi1>, vector<2304x128xi32>
      %slice3A_42 = vector.extract_strided_slice %dot_general3A_20 {offsets = [0, 512], sizes = [2304, 128], strides = [1, 1]} : vector<2304x2048xf32> to vector<2304x128xf32>
      %gt3A_43 = arith.cmpf ogt, %slice3A_42, %select_n3A_38 : vector<2304x128xf32>
      %select_n3A_44 = arith.select %gt3A_43, %slice3A_42, %select_n3A_38 : vector<2304x128xi1>, vector<2304x128xf32>
      %jit3A_45 = arith.constant 4 : i32
      %broadcast_in_dim3A_46 = vector.broadcast %jit3A_45 : i32 to vector<2304x128xi32>
      %select_n3A_47 = arith.select %gt3A_43, %broadcast_in_dim3A_46, %select_n3A_41 : vector<2304x128xi1>, vector<2304x128xi32>
      %slice3A_48 = vector.extract_strided_slice %dot_general3A_20 {offsets = [0, 640], sizes = [2304, 128], strides = [1, 1]} : vector<2304x2048xf32> to vector<2304x128xf32>
      %gt3A_49 = arith.cmpf ogt, %slice3A_48, %select_n3A_44 : vector<2304x128xf32>
      %select_n3A_50 = arith.select %gt3A_49, %slice3A_48, %select_n3A_44 : vector<2304x128xi1>, vector<2304x128xf32>
      %jit3A_51 = arith.constant 5 : i32
      %broadcast_in_dim3A_52 = vector.broadcast %jit3A_51 : i32 to vector<2304x128xi32>
      %select_n3A_53 = arith.select %gt3A_49, %broadcast_in_dim3A_52, %select_n3A_47 : vector<2304x128xi1>, vector<2304x128xi32>
      %slice3A_54 = vector.extract_strided_slice %dot_general3A_20 {offsets = [0, 768], sizes = [2304, 128], strides = [1, 1]} : vector<2304x2048xf32> to vector<2304x128xf32>
      %gt3A_55 = arith.cmpf ogt, %slice3A_54, %select_n3A_50 : vector<2304x128xf32>
      %select_n3A_56 = arith.select %gt3A_55, %slice3A_54, %select_n3A_50 : vector<2304x128xi1>, vector<2304x128xf32>
      %jit3A_57 = arith.constant 6 : i32
      %broadcast_in_dim3A_58 = vector.broadcast %jit3A_57 : i32 to vector<2304x128xi32>
      %select_n3A_59 = arith.select %gt3A_55, %broadcast_in_dim3A_58, %select_n3A_53 : vector<2304x128xi1>, vector<2304x128xi32>
      %slice3A_60 = vector.extract_strided_slice %dot_general3A_20 {offsets = [0, 896], sizes = [2304, 128], strides = [1, 1]} : vector<2304x2048xf32> to vector<2304x128xf32>
      %gt3A_61 = arith.cmpf ogt, %slice3A_60, %select_n3A_56 : vector<2304x128xf32>
      %select_n3A_62 = arith.select %gt3A_61, %slice3A_60, %select_n3A_56 : vector<2304x128xi1>, vector<2304x128xf32>
      %jit3A_63 = arith.constant 7 : i32
      %broadcast_in_dim3A_64 = vector.broadcast %jit3A_63 : i32 to vector<2304x128xi32>
      %select_n3A_65 = arith.select %gt3A_61, %broadcast_in_dim3A_64, %select_n3A_59 : vector<2304x128xi1>, vector<2304x128xi32>
      %slice3A_66 = vector.extract_strided_slice %dot_general3A_20 {offsets = [0, 1024], sizes = [2304, 128], strides = [1, 1]} : vector<2304x2048xf32> to vector<2304x128xf32>
      %gt3A_67 = arith.cmpf ogt, %slice3A_66, %select_n3A_62 : vector<2304x128xf32>
      %select_n3A_68 = arith.select %gt3A_67, %slice3A_66, %select_n3A_62 : vector<2304x128xi1>, vector<2304x128xf32>
      %jit3A_69 = arith.constant 8 : i32
      %broadcast_in_dim3A_70 = vector.broadcast %jit3A_69 : i32 to vector<2304x128xi32>
      %select_n3A_71 = arith.select %gt3A_67, %broadcast_in_dim3A_70, %select_n3A_65 : vector<2304x128xi1>, vector<2304x128xi32>
      %slice3A_72 = vector.extract_strided_slice %dot_general3A_20 {offsets = [0, 1152], sizes = [2304, 128], strides = [1, 1]} : vector<2304x2048xf32> to vector<2304x128xf32>
      %gt3A_73 = arith.cmpf ogt, %slice3A_72, %select_n3A_68 : vector<2304x128xf32>
      %select_n3A_74 = arith.select %gt3A_73, %slice3A_72, %select_n3A_68 : vector<2304x128xi1>, vector<2304x128xf32>
      %jit3A_75 = arith.constant 9 : i32
      %broadcast_in_dim3A_76 = vector.broadcast %jit3A_75 : i32 to vector<2304x128xi32>
      %select_n3A_77 = arith.select %gt3A_73, %broadcast_in_dim3A_76, %select_n3A_71 : vector<2304x128xi1>, vector<2304x128xi32>
      %slice3A_78 = vector.extract_strided_slice %dot_general3A_20 {offsets = [0, 1280], sizes = [2304, 128], strides = [1, 1]} : vector<2304x2048xf32> to vector<2304x128xf32>
      %gt3A_79 = arith.cmpf ogt, %slice3A_78, %select_n3A_74 : vector<2304x128xf32>
      %select_n3A_80 = arith.select %gt3A_79, %slice3A_78, %select_n3A_74 : vector<2304x128xi1>, vector<2304x128xf32>
      %jit3A_81 = arith.constant 10 : i32
      %broadcast_in_dim3A_82 = vector.broadcast %jit3A_81 : i32 to vector<2304x128xi32>
      %select_n3A_83 = arith.select %gt3A_79, %broadcast_in_dim3A_82, %select_n3A_77 : vector<2304x128xi1>, vector<2304x128xi32>
      %slice3A_84 = vector.extract_strided_slice %dot_general3A_20 {offsets = [0, 1408], sizes = [2304, 128], strides = [1, 1]} : vector<2304x2048xf32> to vector<2304x128xf32>
      %gt3A_85 = arith.cmpf ogt, %slice3A_84, %select_n3A_80 : vector<2304x128xf32>
      %select_n3A_86 = arith.select %gt3A_85, %slice3A_84, %select_n3A_80 : vector<2304x128xi1>, vector<2304x128xf32>
      %jit3A_87 = arith.constant 11 : i32
      %broadcast_in_dim3A_88 = vector.broadcast %jit3A_87 : i32 to vector<2304x128xi32>
      %select_n3A_89 = arith.select %gt3A_85, %broadcast_in_dim3A_88, %select_n3A_83 : vector<2304x128xi1>, vector<2304x128xi32>
      %slice3A_90 = vector.extract_strided_slice %dot_general3A_20 {offsets = [0, 1536], sizes = [2304, 128], strides = [1, 1]} : vector<2304x2048xf32> to vector<2304x128xf32>
      %gt3A_91 = arith.cmpf ogt, %slice3A_90, %select_n3A_86 : vector<2304x128xf32>
      %select_n3A_92 = arith.select %gt3A_91, %slice3A_90, %select_n3A_86 : vector<2304x128xi1>, vector<2304x128xf32>
      %jit3A_93 = arith.constant 12 : i32
      %broadcast_in_dim3A_94 = vector.broadcast %jit3A_93 : i32 to vector<2304x128xi32>
      %select_n3A_95 = arith.select %gt3A_91, %broadcast_in_dim3A_94, %select_n3A_89 : vector<2304x128xi1>, vector<2304x128xi32>
      %slice3A_96 = vector.extract_strided_slice %dot_general3A_20 {offsets = [0, 1664], sizes = [2304, 128], strides = [1, 1]} : vector<2304x2048xf32> to vector<2304x128xf32>
      %gt3A_97 = arith.cmpf ogt, %slice3A_96, %select_n3A_92 : vector<2304x128xf32>
      %select_n3A_98 = arith.select %gt3A_97, %slice3A_96, %select_n3A_92 : vector<2304x128xi1>, vector<2304x128xf32>
      %jit3A_99 = arith.constant 13 : i32
      %broadcast_in_dim3A_100 = vector.broadcast %jit3A_99 : i32 to vector<2304x128xi32>
      %select_n3A_101 = arith.select %gt3A_97, %broadcast_in_dim3A_100, %select_n3A_95 : vector<2304x128xi1>, vector<2304x128xi32>
      %slice3A_102 = vector.extract_strided_slice %dot_general3A_20 {offsets = [0, 1792], sizes = [2304, 128], strides = [1, 1]} : vector<2304x2048xf32> to vector<2304x128xf32>
      %gt3A_103 = arith.cmpf ogt, %slice3A_102, %select_n3A_98 : vector<2304x128xf32>
      %select_n3A_104 = arith.select %gt3A_103, %slice3A_102, %select_n3A_98 : vector<2304x128xi1>, vector<2304x128xf32>
      %jit3A_105 = arith.constant 14 : i32
      %broadcast_in_dim3A_106 = vector.broadcast %jit3A_105 : i32 to vector<2304x128xi32>
      %select_n3A_107 = arith.select %gt3A_103, %broadcast_in_dim3A_106, %select_n3A_101 : vector<2304x128xi1>, vector<2304x128xi32>
      %slice3A_108 = vector.extract_strided_slice %dot_general3A_20 {offsets = [0, 1920], sizes = [2304, 128], strides = [1, 1]} : vector<2304x2048xf32> to vector<2304x128xf32>
      %gt3A_109 = arith.cmpf ogt, %slice3A_108, %select_n3A_104 : vector<2304x128xf32>
      %select_n3A_110 = arith.select %gt3A_109, %slice3A_108, %select_n3A_104 : vector<2304x128xi1>, vector<2304x128xf32>
      %jit3A_111 = arith.constant 15 : i32
      %broadcast_in_dim3A_112 = vector.broadcast %jit3A_111 : i32 to vector<2304x128xi32>
      %select_n3A_113 = arith.select %gt3A_109, %broadcast_in_dim3A_112, %select_n3A_107 : vector<2304x128xi1>, vector<2304x128xi32>
      %get3A_114 = arith.constant 1 : index
      %get3A_115 = arith.constant 0 : index
      %get3A_116 = arith.constant 0 : index
      %get3A_117 = vector.load %arg6[%get3A_114, %get3A_115, %get3A_116] : memref<4x256x2048xf32, #tpu.memory_space<vmem>>, vector<1x256x2048xf32>
      %get3A_118 = vector.shape_cast %get3A_117 : vector<1x256x2048xf32> to vector<256x2048xf32>
      %dot_general3A_119 = arith.constant dense<0.000000e+00> : vector<2304x2048xf32>
      %dot_general3A_120 = tpu.matmul %div3A_10, %get3A_118, %dot_general3A_119 {dimension_numbers = #tpu.dot_dimension_numbers<[1], [0], [0], [1], [0, 0, 1, 1], [], []>, transpose_lhs_hint = false} : vector<2304x256xf32>, vector<256x2048xf32>, vector<2304x2048xf32> -> vector<2304x2048xf32>
      %slice3A_121 = vector.extract_strided_slice %dot_general3A_120 {offsets = [0, 0], sizes = [2304, 128], strides = [1, 1]} : vector<2304x2048xf32> to vector<2304x128xf32>
      %gt3A_122 = arith.cmpf ogt, %slice3A_121, %select_n3A_110 : vector<2304x128xf32>
      %select_n3A_123 = arith.select %gt3A_122, %slice3A_121, %select_n3A_110 : vector<2304x128xi1>, vector<2304x128xf32>
      %jit3A_124 = arith.constant 16 : i32
      %broadcast_in_dim3A_125 = vector.broadcast %jit3A_124 : i32 to vector<2304x128xi32>
      %select_n3A_126 = arith.select %gt3A_122, %broadcast_in_dim3A_125, %select_n3A_113 : vector<2304x128xi1>, vector<2304x128xi32>
      %slice3A_127 = vector.extract_strided_slice %dot_general3A_120 {offsets = [0, 128], sizes = [2304, 128], strides = [1, 1]} : vector<2304x2048xf32> to vector<2304x128xf32>
      %gt3A_128 = arith.cmpf ogt, %slice3A_127, %select_n3A_123 : vector<2304x128xf32>
      %select_n3A_129 = arith.select %gt3A_128, %slice3A_127, %select_n3A_123 : vector<2304x128xi1>, vector<2304x128xf32>
      %jit3A_130 = arith.constant 17 : i32
      %broadcast_in_dim3A_131 = vector.broadcast %jit3A_130 : i32 to vector<2304x128xi32>
      %select_n3A_132 = arith.select %gt3A_128, %broadcast_in_dim3A_131, %select_n3A_126 : vector<2304x128xi1>, vector<2304x128xi32>
      %slice3A_133 = vector.extract_strided_slice %dot_general3A_120 {offsets = [0, 256], sizes = [2304, 128], strides = [1, 1]} : vector<2304x2048xf32> to vector<2304x128xf32>
      %gt3A_134 = arith.cmpf ogt, %slice3A_133, %select_n3A_129 : vector<2304x128xf32>
      %select_n3A_135 = arith.select %gt3A_134, %slice3A_133, %select_n3A_129 : vector<2304x128xi1>, vector<2304x128xf32>
      %jit3A_136 = arith.constant 18 : i32
      %broadcast_in_dim3A_137 = vector.broadcast %jit3A_136 : i32 to vector<2304x128xi32>
      %select_n3A_138 = arith.select %gt3A_134, %broadcast_in_dim3A_137, %select_n3A_132 : vector<2304x128xi1>, vector<2304x128xi32>
      %slice3A_139 = vector.extract_strided_slice %dot_general3A_120 {offsets = [0, 384], sizes = [2304, 128], strides = [1, 1]} : vector<2304x2048xf32> to vector<2304x128xf32>
      %gt3A_140 = arith.cmpf ogt, %slice3A_139, %select_n3A_135 : vector<2304x128xf32>
      %select_n3A_141 = arith.select %gt3A_140, %slice3A_139, %select_n3A_135 : vector<2304x128xi1>, vector<2304x128xf32>
      %jit3A_142 = arith.constant 19 : i32
      %broadcast_in_dim3A_143 = vector.broadcast %jit3A_142 : i32 to vector<2304x128xi32>
      %select_n3A_144 = arith.select %gt3A_140, %broadcast_in_dim3A_143, %select_n3A_138 : vector<2304x128xi1>, vector<2304x128xi32>
      %slice3A_145 = vector.extract_strided_slice %dot_general3A_120 {offsets = [0, 512], sizes = [2304, 128], strides = [1, 1]} : vector<2304x2048xf32> to vector<2304x128xf32>
      %gt3A_146 = arith.cmpf ogt, %slice3A_145, %select_n3A_141 : vector<2304x128xf32>
      %select_n3A_147 = arith.select %gt3A_146, %slice3A_145, %select_n3A_141 : vector<2304x128xi1>, vector<2304x128xf32>
      %jit3A_148 = arith.constant 20 : i32
      %broadcast_in_dim3A_149 = vector.broadcast %jit3A_148 : i32 to vector<2304x128xi32>
      %select_n3A_150 = arith.select %gt3A_146, %broadcast_in_dim3A_149, %select_n3A_144 : vector<2304x128xi1>, vector<2304x128xi32>
      %slice3A_151 = vector.extract_strided_slice %dot_general3A_120 {offsets = [0, 640], sizes = [2304, 128], strides = [1, 1]} : vector<2304x2048xf32> to vector<2304x128xf32>
      %gt3A_152 = arith.cmpf ogt, %slice3A_151, %select_n3A_147 : vector<2304x128xf32>
      %select_n3A_153 = arith.select %gt3A_152, %slice3A_151, %select_n3A_147 : vector<2304x128xi1>, vector<2304x128xf32>
      %jit3A_154 = arith.constant 21 : i32
      %broadcast_in_dim3A_155 = vector.broadcast %jit3A_154 : i32 to vector<2304x128xi32>
      %select_n3A_156 = arith.select %gt3A_152, %broadcast_in_dim3A_155, %select_n3A_150 : vector<2304x128xi1>, vector<2304x128xi32>
      %slice3A_157 = vector.extract_strided_slice %dot_general3A_120 {offsets = [0, 768], sizes = [2304, 128], strides = [1, 1]} : vector<2304x2048xf32> to vector<2304x128xf32>
      %gt3A_158 = arith.cmpf ogt, %slice3A_157, %select_n3A_153 : vector<2304x128xf32>
      %select_n3A_159 = arith.select %gt3A_158, %slice3A_157, %select_n3A_153 : vector<2304x128xi1>, vector<2304x128xf32>
      %jit3A_160 = arith.constant 22 : i32
      %broadcast_in_dim3A_161 = vector.broadcast %jit3A_160 : i32 to vector<2304x128xi32>
      %select_n3A_162 = arith.select %gt3A_158, %broadcast_in_dim3A_161, %select_n3A_156 : vector<2304x128xi1>, vector<2304x128xi32>
      %slice3A_163 = vector.extract_strided_slice %dot_general3A_120 {offsets = [0, 896], sizes = [2304, 128], strides = [1, 1]} : vector<2304x2048xf32> to vector<2304x128xf32>
      %gt3A_164 = arith.cmpf ogt, %slice3A_163, %select_n3A_159 : vector<2304x128xf32>
      %select_n3A_165 = arith.select %gt3A_164, %slice3A_163, %select_n3A_159 : vector<2304x128xi1>, vector<2304x128xf32>
      %jit3A_166 = arith.constant 23 : i32
      %broadcast_in_dim3A_167 = vector.broadcast %jit3A_166 : i32 to vector<2304x128xi32>
      %select_n3A_168 = arith.select %gt3A_164, %broadcast_in_dim3A_167, %select_n3A_162 : vector<2304x128xi1>, vector<2304x128xi32>
      %slice3A_169 = vector.extract_strided_slice %dot_general3A_120 {offsets = [0, 1024], sizes = [2304, 128], strides = [1, 1]} : vector<2304x2048xf32> to vector<2304x128xf32>
      %gt3A_170 = arith.cmpf ogt, %slice3A_169, %select_n3A_165 : vector<2304x128xf32>
      %select_n3A_171 = arith.select %gt3A_170, %slice3A_169, %select_n3A_165 : vector<2304x128xi1>, vector<2304x128xf32>
      %jit3A_172 = arith.constant 24 : i32
      %broadcast_in_dim3A_173 = vector.broadcast %jit3A_172 : i32 to vector<2304x128xi32>
      %select_n3A_174 = arith.select %gt3A_170, %broadcast_in_dim3A_173, %select_n3A_168 : vector<2304x128xi1>, vector<2304x128xi32>
      %slice3A_175 = vector.extract_strided_slice %dot_general3A_120 {offsets = [0, 1152], sizes = [2304, 128], strides = [1, 1]} : vector<2304x2048xf32> to vector<2304x128xf32>
      %gt3A_176 = arith.cmpf ogt, %slice3A_175, %select_n3A_171 : vector<2304x128xf32>
      %select_n3A_177 = arith.select %gt3A_176, %slice3A_175, %select_n3A_171 : vector<2304x128xi1>, vector<2304x128xf32>
      %jit3A_178 = arith.constant 25 : i32
      %broadcast_in_dim3A_179 = vector.broadcast %jit3A_178 : i32 to vector<2304x128xi32>
      %select_n3A_180 = arith.select %gt3A_176, %broadcast_in_dim3A_179, %select_n3A_174 : vector<2304x128xi1>, vector<2304x128xi32>
      %slice3A_181 = vector.extract_strided_slice %dot_general3A_120 {offsets = [0, 1280], sizes = [2304, 128], strides = [1, 1]} : vector<2304x2048xf32> to vector<2304x128xf32>
      %gt3A_182 = arith.cmpf ogt, %slice3A_181, %select_n3A_177 : vector<2304x128xf32>
      %select_n3A_183 = arith.select %gt3A_182, %slice3A_181, %select_n3A_177 : vector<2304x128xi1>, vector<2304x128xf32>
      %jit3A_184 = arith.constant 26 : i32
      %broadcast_in_dim3A_185 = vector.broadcast %jit3A_184 : i32 to vector<2304x128xi32>
      %select_n3A_186 = arith.select %gt3A_182, %broadcast_in_dim3A_185, %select_n3A_180 : vector<2304x128xi1>, vector<2304x128xi32>
      %slice3A_187 = vector.extract_strided_slice %dot_general3A_120 {offsets = [0, 1408], sizes = [2304, 128], strides = [1, 1]} : vector<2304x2048xf32> to vector<2304x128xf32>
      %gt3A_188 = arith.cmpf ogt, %slice3A_187, %select_n3A_183 : vector<2304x128xf32>
      %select_n3A_189 = arith.select %gt3A_188, %slice3A_187, %select_n3A_183 : vector<2304x128xi1>, vector<2304x128xf32>
      %jit3A_190 = arith.constant 27 : i32
      %broadcast_in_dim3A_191 = vector.broadcast %jit3A_190 : i32 to vector<2304x128xi32>
      %select_n3A_192 = arith.select %gt3A_188, %broadcast_in_dim3A_191, %select_n3A_186 : vector<2304x128xi1>, vector<2304x128xi32>
      %slice3A_193 = vector.extract_strided_slice %dot_general3A_120 {offsets = [0, 1536], sizes = [2304, 128], strides = [1, 1]} : vector<2304x2048xf32> to vector<2304x128xf32>
      %gt3A_194 = arith.cmpf ogt, %slice3A_193, %select_n3A_189 : vector<2304x128xf32>
      %select_n3A_195 = arith.select %gt3A_194, %slice3A_193, %select_n3A_189 : vector<2304x128xi1>, vector<2304x128xf32>
      %jit3A_196 = arith.constant 28 : i32
      %broadcast_in_dim3A_197 = vector.broadcast %jit3A_196 : i32 to vector<2304x128xi32>
      %select_n3A_198 = arith.select %gt3A_194, %broadcast_in_dim3A_197, %select_n3A_192 : vector<2304x128xi1>, vector<2304x128xi32>
      %slice3A_199 = vector.extract_strided_slice %dot_general3A_120 {offsets = [0, 1664], sizes = [2304, 128], strides = [1, 1]} : vector<2304x2048xf32> to vector<2304x128xf32>
      %gt3A_200 = arith.cmpf ogt, %slice3A_199, %select_n3A_195 : vector<2304x128xf32>
      %select_n3A_201 = arith.select %gt3A_200, %slice3A_199, %select_n3A_195 : vector<2304x128xi1>, vector<2304x128xf32>
      %jit3A_202 = arith.constant 29 : i32
      %broadcast_in_dim3A_203 = vector.broadcast %jit3A_202 : i32 to vector<2304x128xi32>
      %select_n3A_204 = arith.select %gt3A_200, %broadcast_in_dim3A_203, %select_n3A_198 : vector<2304x128xi1>, vector<2304x128xi32>
      %slice3A_205 = vector.extract_strided_slice %dot_general3A_120 {offsets = [0, 1792], sizes = [2304, 128], strides = [1, 1]} : vector<2304x2048xf32> to vector<2304x128xf32>
      %gt3A_206 = arith.cmpf ogt, %slice3A_205, %select_n3A_201 : vector<2304x128xf32>
      %select_n3A_207 = arith.select %gt3A_206, %slice3A_205, %select_n3A_201 : vector<2304x128xi1>, vector<2304x128xf32>
      %jit3A_208 = arith.constant 30 : i32
      %broadcast_in_dim3A_209 = vector.broadcast %jit3A_208 : i32 to vector<2304x128xi32>
      %select_n3A_210 = arith.select %gt3A_206, %broadcast_in_dim3A_209, %select_n3A_204 : vector<2304x128xi1>, vector<2304x128xi32>
      %slice3A_211 = vector.extract_strided_slice %dot_general3A_120 {offsets = [0, 1920], sizes = [2304, 128], strides = [1, 1]} : vector<2304x2048xf32> to vector<2304x128xf32>
      %gt3A_212 = arith.cmpf ogt, %slice3A_211, %select_n3A_207 : vector<2304x128xf32>
      %select_n3A_213 = arith.select %gt3A_212, %slice3A_211, %select_n3A_207 : vector<2304x128xi1>, vector<2304x128xf32>
      %jit3A_214 = arith.constant 31 : i32
      %broadcast_in_dim3A_215 = vector.broadcast %jit3A_214 : i32 to vector<2304x128xi32>
      %select_n3A_216 = arith.select %gt3A_212, %broadcast_in_dim3A_215, %select_n3A_210 : vector<2304x128xi1>, vector<2304x128xi32>
      %get3A_217 = arith.constant 2 : index
      %get3A_218 = arith.constant 0 : index
      %get3A_219 = arith.constant 0 : index
      %get3A_220 = vector.load %arg6[%get3A_217, %get3A_218, %get3A_219] : memref<4x256x2048xf32, #tpu.memory_space<vmem>>, vector<1x256x2048xf32>
      %get3A_221 = vector.shape_cast %get3A_220 : vector<1x256x2048xf32> to vector<256x2048xf32>
      %dot_general3A_222 = arith.constant dense<0.000000e+00> : vector<2304x2048xf32>
      %dot_general3A_223 = tpu.matmul %div3A_10, %get3A_221, %dot_general3A_222 {dimension_numbers = #tpu.dot_dimension_numbers<[1], [0], [0], [1], [0, 0, 1, 1], [], []>, transpose_lhs_hint = false} : vector<2304x256xf32>, vector<256x2048xf32>, vector<2304x2048xf32> -> vector<2304x2048xf32>
      %slice3A_224 = vector.extract_strided_slice %dot_general3A_223 {offsets = [0, 0], sizes = [2304, 128], strides = [1, 1]} : vector<2304x2048xf32> to vector<2304x128xf32>
      %gt3A_225 = arith.cmpf ogt, %slice3A_224, %select_n3A_213 : vector<2304x128xf32>
      %select_n3A_226 = arith.select %gt3A_225, %slice3A_224, %select_n3A_213 : vector<2304x128xi1>, vector<2304x128xf32>
      %jit3A_227 = arith.constant 32 : i32
      %broadcast_in_dim3A_228 = vector.broadcast %jit3A_227 : i32 to vector<2304x128xi32>
      %select_n3A_229 = arith.select %gt3A_225, %broadcast_in_dim3A_228, %select_n3A_216 : vector<2304x128xi1>, vector<2304x128xi32>
      %slice3A_230 = vector.extract_strided_slice %dot_general3A_223 {offsets = [0, 128], sizes = [2304, 128], strides = [1, 1]} : vector<2304x2048xf32> to vector<2304x128xf32>
      %gt3A_231 = arith.cmpf ogt, %slice3A_230, %select_n3A_226 : vector<2304x128xf32>
      %select_n3A_232 = arith.select %gt3A_231, %slice3A_230, %select_n3A_226 : vector<2304x128xi1>, vector<2304x128xf32>
      %jit3A_233 = arith.constant 33 : i32
      %broadcast_in_dim3A_234 = vector.broadcast %jit3A_233 : i32 to vector<2304x128xi32>
      %select_n3A_235 = arith.select %gt3A_231, %broadcast_in_dim3A_234, %select_n3A_229 : vector<2304x128xi1>, vector<2304x128xi32>
      %slice3A_236 = vector.extract_strided_slice %dot_general3A_223 {offsets = [0, 256], sizes = [2304, 128], strides = [1, 1]} : vector<2304x2048xf32> to vector<2304x128xf32>
      %gt3A_237 = arith.cmpf ogt, %slice3A_236, %select_n3A_232 : vector<2304x128xf32>
      %select_n3A_238 = arith.select %gt3A_237, %slice3A_236, %select_n3A_232 : vector<2304x128xi1>, vector<2304x128xf32>
      %jit3A_239 = arith.constant 34 : i32
      %broadcast_in_dim3A_240 = vector.broadcast %jit3A_239 : i32 to vector<2304x128xi32>
      %select_n3A_241 = arith.select %gt3A_237, %broadcast_in_dim3A_240, %select_n3A_235 : vector<2304x128xi1>, vector<2304x128xi32>
      %slice3A_242 = vector.extract_strided_slice %dot_general3A_223 {offsets = [0, 384], sizes = [2304, 128], strides = [1, 1]} : vector<2304x2048xf32> to vector<2304x128xf32>
      %gt3A_243 = arith.cmpf ogt, %slice3A_242, %select_n3A_238 : vector<2304x128xf32>
      %select_n3A_244 = arith.select %gt3A_243, %slice3A_242, %select_n3A_238 : vector<2304x128xi1>, vector<2304x128xf32>
      %jit3A_245 = arith.constant 35 : i32
      %broadcast_in_dim3A_246 = vector.broadcast %jit3A_245 : i32 to vector<2304x128xi32>
      %select_n3A_247 = arith.select %gt3A_243, %broadcast_in_dim3A_246, %select_n3A_241 : vector<2304x128xi1>, vector<2304x128xi32>
      %slice3A_248 = vector.extract_strided_slice %dot_general3A_223 {offsets = [0, 512], sizes = [2304, 128], strides = [1, 1]} : vector<2304x2048xf32> to vector<2304x128xf32>
      %gt3A_249 = arith.cmpf ogt, %slice3A_248, %select_n3A_244 : vector<2304x128xf32>
      %select_n3A_250 = arith.select %gt3A_249, %slice3A_248, %select_n3A_244 : vector<2304x128xi1>, vector<2304x128xf32>
      %jit3A_251 = arith.constant 36 : i32
      %broadcast_in_dim3A_252 = vector.broadcast %jit3A_251 : i32 to vector<2304x128xi32>
      %select_n3A_253 = arith.select %gt3A_249, %broadcast_in_dim3A_252, %select_n3A_247 : vector<2304x128xi1>, vector<2304x128xi32>
      %slice3A_254 = vector.extract_strided_slice %dot_general3A_223 {offsets = [0, 640], sizes = [2304, 128], strides = [1, 1]} : vector<2304x2048xf32> to vector<2304x128xf32>
      %gt3A_255 = arith.cmpf ogt, %slice3A_254, %select_n3A_250 : vector<2304x128xf32>
      %select_n3A_256 = arith.select %gt3A_255, %slice3A_254, %select_n3A_250 : vector<2304x128xi1>, vector<2304x128xf32>
      %jit3A_257 = arith.constant 37 : i32
      %broadcast_in_dim3A_258 = vector.broadcast %jit3A_257 : i32 to vector<2304x128xi32>
      %select_n3A_259 = arith.select %gt3A_255, %broadcast_in_dim3A_258, %select_n3A_253 : vector<2304x128xi1>, vector<2304x128xi32>
      %slice3A_260 = vector.extract_strided_slice %dot_general3A_223 {offsets = [0, 768], sizes = [2304, 128], strides = [1, 1]} : vector<2304x2048xf32> to vector<2304x128xf32>
      %gt3A_261 = arith.cmpf ogt, %slice3A_260, %select_n3A_256 : vector<2304x128xf32>
      %select_n3A_262 = arith.select %gt3A_261, %slice3A_260, %select_n3A_256 : vector<2304x128xi1>, vector<2304x128xf32>
      %jit3A_263 = arith.constant 38 : i32
      %broadcast_in_dim3A_264 = vector.broadcast %jit3A_263 : i32 to vector<2304x128xi32>
      %select_n3A_265 = arith.select %gt3A_261, %broadcast_in_dim3A_264, %select_n3A_259 : vector<2304x128xi1>, vector<2304x128xi32>
      %slice3A_266 = vector.extract_strided_slice %dot_general3A_223 {offsets = [0, 896], sizes = [2304, 128], strides = [1, 1]} : vector<2304x2048xf32> to vector<2304x128xf32>
      %gt3A_267 = arith.cmpf ogt, %slice3A_266, %select_n3A_262 : vector<2304x128xf32>
      %select_n3A_268 = arith.select %gt3A_267, %slice3A_266, %select_n3A_262 : vector<2304x128xi1>, vector<2304x128xf32>
      %jit3A_269 = arith.constant 39 : i32
      %broadcast_in_dim3A_270 = vector.broadcast %jit3A_269 : i32 to vector<2304x128xi32>
      %select_n3A_271 = arith.select %gt3A_267, %broadcast_in_dim3A_270, %select_n3A_265 : vector<2304x128xi1>, vector<2304x128xi32>
      %slice3A_272 = vector.extract_strided_slice %dot_general3A_223 {offsets = [0, 1024], sizes = [2304, 128], strides = [1, 1]} : vector<2304x2048xf32> to vector<2304x128xf32>
      %gt3A_273 = arith.cmpf ogt, %slice3A_272, %select_n3A_268 : vector<2304x128xf32>
      %select_n3A_274 = arith.select %gt3A_273, %slice3A_272, %select_n3A_268 : vector<2304x128xi1>, vector<2304x128xf32>
      %jit3A_275 = arith.constant 40 : i32
      %broadcast_in_dim3A_276 = vector.broadcast %jit3A_275 : i32 to vector<2304x128xi32>
      %select_n3A_277 = arith.select %gt3A_273, %broadcast_in_dim3A_276, %select_n3A_271 : vector<2304x128xi1>, vector<2304x128xi32>
      %slice3A_278 = vector.extract_strided_slice %dot_general3A_223 {offsets = [0, 1152], sizes = [2304, 128], strides = [1, 1]} : vector<2304x2048xf32> to vector<2304x128xf32>
      %gt3A_279 = arith.cmpf ogt, %slice3A_278, %select_n3A_274 : vector<2304x128xf32>
      %select_n3A_280 = arith.select %gt3A_279, %slice3A_278, %select_n3A_274 : vector<2304x128xi1>, vector<2304x128xf32>
      %jit3A_281 = arith.constant 41 : i32
      %broadcast_in_dim3A_282 = vector.broadcast %jit3A_281 : i32 to vector<2304x128xi32>
      %select_n3A_283 = arith.select %gt3A_279, %broadcast_in_dim3A_282, %select_n3A_277 : vector<2304x128xi1>, vector<2304x128xi32>
      %slice3A_284 = vector.extract_strided_slice %dot_general3A_223 {offsets = [0, 1280], sizes = [2304, 128], strides = [1, 1]} : vector<2304x2048xf32> to vector<2304x128xf32>
      %gt3A_285 = arith.cmpf ogt, %slice3A_284, %select_n3A_280 : vector<2304x128xf32>
      %select_n3A_286 = arith.select %gt3A_285, %slice3A_284, %select_n3A_280 : vector<2304x128xi1>, vector<2304x128xf32>
      %jit3A_287 = arith.constant 42 : i32
      %broadcast_in_dim3A_288 = vector.broadcast %jit3A_287 : i32 to vector<2304x128xi32>
      %select_n3A_289 = arith.select %gt3A_285, %broadcast_in_dim3A_288, %select_n3A_283 : vector<2304x128xi1>, vector<2304x128xi32>
      %slice3A_290 = vector.extract_strided_slice %dot_general3A_223 {offsets = [0, 1408], sizes = [2304, 128], strides = [1, 1]} : vector<2304x2048xf32> to vector<2304x128xf32>
      %gt3A_291 = arith.cmpf ogt, %slice3A_290, %select_n3A_286 : vector<2304x128xf32>
      %select_n3A_292 = arith.select %gt3A_291, %slice3A_290, %select_n3A_286 : vector<2304x128xi1>, vector<2304x128xf32>
      %jit3A_293 = arith.constant 43 : i32
      %broadcast_in_dim3A_294 = vector.broadcast %jit3A_293 : i32 to vector<2304x128xi32>
      %select_n3A_295 = arith.select %gt3A_291, %broadcast_in_dim3A_294, %select_n3A_289 : vector<2304x128xi1>, vector<2304x128xi32>
      %slice3A_296 = vector.extract_strided_slice %dot_general3A_223 {offsets = [0, 1536], sizes = [2304, 128], strides = [1, 1]} : vector<2304x2048xf32> to vector<2304x128xf32>
      %gt3A_297 = arith.cmpf ogt, %slice3A_296, %select_n3A_292 : vector<2304x128xf32>
      %select_n3A_298 = arith.select %gt3A_297, %slice3A_296, %select_n3A_292 : vector<2304x128xi1>, vector<2304x128xf32>
      %jit3A_299 = arith.constant 44 : i32
      %broadcast_in_dim3A_300 = vector.broadcast %jit3A_299 : i32 to vector<2304x128xi32>
      %select_n3A_301 = arith.select %gt3A_297, %broadcast_in_dim3A_300, %select_n3A_295 : vector<2304x128xi1>, vector<2304x128xi32>
      %slice3A_302 = vector.extract_strided_slice %dot_general3A_223 {offsets = [0, 1664], sizes = [2304, 128], strides = [1, 1]} : vector<2304x2048xf32> to vector<2304x128xf32>
      %gt3A_303 = arith.cmpf ogt, %slice3A_302, %select_n3A_298 : vector<2304x128xf32>
      %select_n3A_304 = arith.select %gt3A_303, %slice3A_302, %select_n3A_298 : vector<2304x128xi1>, vector<2304x128xf32>
      %jit3A_305 = arith.constant 45 : i32
      %broadcast_in_dim3A_306 = vector.broadcast %jit3A_305 : i32 to vector<2304x128xi32>
      %select_n3A_307 = arith.select %gt3A_303, %broadcast_in_dim3A_306, %select_n3A_301 : vector<2304x128xi1>, vector<2304x128xi32>
      %slice3A_308 = vector.extract_strided_slice %dot_general3A_223 {offsets = [0, 1792], sizes = [2304, 128], strides = [1, 1]} : vector<2304x2048xf32> to vector<2304x128xf32>
      %gt3A_309 = arith.cmpf ogt, %slice3A_308, %select_n3A_304 : vector<2304x128xf32>
      %select_n3A_310 = arith.select %gt3A_309, %slice3A_308, %select_n3A_304 : vector<2304x128xi1>, vector<2304x128xf32>
      %jit3A_311 = arith.constant 46 : i32
      %broadcast_in_dim3A_312 = vector.broadcast %jit3A_311 : i32 to vector<2304x128xi32>
      %select_n3A_313 = arith.select %gt3A_309, %broadcast_in_dim3A_312, %select_n3A_307 : vector<2304x128xi1>, vector<2304x128xi32>
      %slice3A_314 = vector.extract_strided_slice %dot_general3A_223 {offsets = [0, 1920], sizes = [2304, 128], strides = [1, 1]} : vector<2304x2048xf32> to vector<2304x128xf32>
      %gt3A_315 = arith.cmpf ogt, %slice3A_314, %select_n3A_310 : vector<2304x128xf32>
      %select_n3A_316 = arith.select %gt3A_315, %slice3A_314, %select_n3A_310 : vector<2304x128xi1>, vector<2304x128xf32>
      %jit3A_317 = arith.constant 47 : i32
      %broadcast_in_dim3A_318 = vector.broadcast %jit3A_317 : i32 to vector<2304x128xi32>
      %select_n3A_319 = arith.select %gt3A_315, %broadcast_in_dim3A_318, %select_n3A_313 : vector<2304x128xi1>, vector<2304x128xi32>
      %get3A_320 = arith.constant 3 : index
      %get3A_321 = arith.constant 0 : index
      %get3A_322 = arith.constant 0 : index
      %get3A_323 = vector.load %arg6[%get3A_320, %get3A_321, %get3A_322] : memref<4x256x2048xf32, #tpu.memory_space<vmem>>, vector<1x256x2048xf32>
      %get3A_324 = vector.shape_cast %get3A_323 : vector<1x256x2048xf32> to vector<256x2048xf32>
      %dot_general3A_325 = arith.constant dense<0.000000e+00> : vector<2304x2048xf32>
      %dot_general3A_326 = tpu.matmul %div3A_10, %get3A_324, %dot_general3A_325 {dimension_numbers = #tpu.dot_dimension_numbers<[1], [0], [0], [1], [0, 0, 1, 1], [], []>, transpose_lhs_hint = false} : vector<2304x256xf32>, vector<256x2048xf32>, vector<2304x2048xf32> -> vector<2304x2048xf32>
      %slice3A_327 = vector.extract_strided_slice %dot_general3A_326 {offsets = [0, 0], sizes = [2304, 128], strides = [1, 1]} : vector<2304x2048xf32> to vector<2304x128xf32>
      %gt3A_328 = arith.cmpf ogt, %slice3A_327, %select_n3A_316 : vector<2304x128xf32>
      %select_n3A_329 = arith.select %gt3A_328, %slice3A_327, %select_n3A_316 : vector<2304x128xi1>, vector<2304x128xf32>
      %jit3A_330 = arith.constant 48 : i32
      %broadcast_in_dim3A_331 = vector.broadcast %jit3A_330 : i32 to vector<2304x128xi32>
      %select_n3A_332 = arith.select %gt3A_328, %broadcast_in_dim3A_331, %select_n3A_319 : vector<2304x128xi1>, vector<2304x128xi32>
      %slice3A_333 = vector.extract_strided_slice %dot_general3A_326 {offsets = [0, 128], sizes = [2304, 128], strides = [1, 1]} : vector<2304x2048xf32> to vector<2304x128xf32>
      %gt3A_334 = arith.cmpf ogt, %slice3A_333, %select_n3A_329 : vector<2304x128xf32>
      %select_n3A_335 = arith.select %gt3A_334, %slice3A_333, %select_n3A_329 : vector<2304x128xi1>, vector<2304x128xf32>
      %jit3A_336 = arith.constant 49 : i32
      %broadcast_in_dim3A_337 = vector.broadcast %jit3A_336 : i32 to vector<2304x128xi32>
      %select_n3A_338 = arith.select %gt3A_334, %broadcast_in_dim3A_337, %select_n3A_332 : vector<2304x128xi1>, vector<2304x128xi32>
      %slice3A_339 = vector.extract_strided_slice %dot_general3A_326 {offsets = [0, 256], sizes = [2304, 128], strides = [1, 1]} : vector<2304x2048xf32> to vector<2304x128xf32>
      %gt3A_340 = arith.cmpf ogt, %slice3A_339, %select_n3A_335 : vector<2304x128xf32>
      %select_n3A_341 = arith.select %gt3A_340, %slice3A_339, %select_n3A_335 : vector<2304x128xi1>, vector<2304x128xf32>
      %jit3A_342 = arith.constant 50 : i32
      %broadcast_in_dim3A_343 = vector.broadcast %jit3A_342 : i32 to vector<2304x128xi32>
      %select_n3A_344 = arith.select %gt3A_340, %broadcast_in_dim3A_343, %select_n3A_338 : vector<2304x128xi1>, vector<2304x128xi32>
      %slice3A_345 = vector.extract_strided_slice %dot_general3A_326 {offsets = [0, 384], sizes = [2304, 128], strides = [1, 1]} : vector<2304x2048xf32> to vector<2304x128xf32>
      %gt3A_346 = arith.cmpf ogt, %slice3A_345, %select_n3A_341 : vector<2304x128xf32>
      %select_n3A_347 = arith.select %gt3A_346, %slice3A_345, %select_n3A_341 : vector<2304x128xi1>, vector<2304x128xf32>
      %jit3A_348 = arith.constant 51 : i32
      %broadcast_in_dim3A_349 = vector.broadcast %jit3A_348 : i32 to vector<2304x128xi32>
      %select_n3A_350 = arith.select %gt3A_346, %broadcast_in_dim3A_349, %select_n3A_344 : vector<2304x128xi1>, vector<2304x128xi32>
      %slice3A_351 = vector.extract_strided_slice %dot_general3A_326 {offsets = [0, 512], sizes = [2304, 128], strides = [1, 1]} : vector<2304x2048xf32> to vector<2304x128xf32>
      %gt3A_352 = arith.cmpf ogt, %slice3A_351, %select_n3A_347 : vector<2304x128xf32>
      %select_n3A_353 = arith.select %gt3A_352, %slice3A_351, %select_n3A_347 : vector<2304x128xi1>, vector<2304x128xf32>
      %jit3A_354 = arith.constant 52 : i32
      %broadcast_in_dim3A_355 = vector.broadcast %jit3A_354 : i32 to vector<2304x128xi32>
      %select_n3A_356 = arith.select %gt3A_352, %broadcast_in_dim3A_355, %select_n3A_350 : vector<2304x128xi1>, vector<2304x128xi32>
      %slice3A_357 = vector.extract_strided_slice %dot_general3A_326 {offsets = [0, 640], sizes = [2304, 128], strides = [1, 1]} : vector<2304x2048xf32> to vector<2304x128xf32>
      %gt3A_358 = arith.cmpf ogt, %slice3A_357, %select_n3A_353 : vector<2304x128xf32>
      %select_n3A_359 = arith.select %gt3A_358, %slice3A_357, %select_n3A_353 : vector<2304x128xi1>, vector<2304x128xf32>
      %jit3A_360 = arith.constant 53 : i32
      %broadcast_in_dim3A_361 = vector.broadcast %jit3A_360 : i32 to vector<2304x128xi32>
      %select_n3A_362 = arith.select %gt3A_358, %broadcast_in_dim3A_361, %select_n3A_356 : vector<2304x128xi1>, vector<2304x128xi32>
      %slice3A_363 = vector.extract_strided_slice %dot_general3A_326 {offsets = [0, 768], sizes = [2304, 128], strides = [1, 1]} : vector<2304x2048xf32> to vector<2304x128xf32>
      %gt3A_364 = arith.cmpf ogt, %slice3A_363, %select_n3A_359 : vector<2304x128xf32>
      %select_n3A_365 = arith.select %gt3A_364, %slice3A_363, %select_n3A_359 : vector<2304x128xi1>, vector<2304x128xf32>
      %jit3A_366 = arith.constant 54 : i32
      %broadcast_in_dim3A_367 = vector.broadcast %jit3A_366 : i32 to vector<2304x128xi32>
      %select_n3A_368 = arith.select %gt3A_364, %broadcast_in_dim3A_367, %select_n3A_362 : vector<2304x128xi1>, vector<2304x128xi32>
      %slice3A_369 = vector.extract_strided_slice %dot_general3A_326 {offsets = [0, 896], sizes = [2304, 128], strides = [1, 1]} : vector<2304x2048xf32> to vector<2304x128xf32>
      %gt3A_370 = arith.cmpf ogt, %slice3A_369, %select_n3A_365 : vector<2304x128xf32>
      %select_n3A_371 = arith.select %gt3A_370, %slice3A_369, %select_n3A_365 : vector<2304x128xi1>, vector<2304x128xf32>
      %jit3A_372 = arith.constant 55 : i32
      %broadcast_in_dim3A_373 = vector.broadcast %jit3A_372 : i32 to vector<2304x128xi32>
      %select_n3A_374 = arith.select %gt3A_370, %broadcast_in_dim3A_373, %select_n3A_368 : vector<2304x128xi1>, vector<2304x128xi32>
      %slice3A_375 = vector.extract_strided_slice %dot_general3A_326 {offsets = [0, 1024], sizes = [2304, 128], strides = [1, 1]} : vector<2304x2048xf32> to vector<2304x128xf32>
      %gt3A_376 = arith.cmpf ogt, %slice3A_375, %select_n3A_371 : vector<2304x128xf32>
      %select_n3A_377 = arith.select %gt3A_376, %slice3A_375, %select_n3A_371 : vector<2304x128xi1>, vector<2304x128xf32>
      %jit3A_378 = arith.constant 56 : i32
      %broadcast_in_dim3A_379 = vector.broadcast %jit3A_378 : i32 to vector<2304x128xi32>
      %select_n3A_380 = arith.select %gt3A_376, %broadcast_in_dim3A_379, %select_n3A_374 : vector<2304x128xi1>, vector<2304x128xi32>
      %slice3A_381 = vector.extract_strided_slice %dot_general3A_326 {offsets = [0, 1152], sizes = [2304, 128], strides = [1, 1]} : vector<2304x2048xf32> to vector<2304x128xf32>
      %gt3A_382 = arith.cmpf ogt, %slice3A_381, %select_n3A_377 : vector<2304x128xf32>
      %select_n3A_383 = arith.select %gt3A_382, %slice3A_381, %select_n3A_377 : vector<2304x128xi1>, vector<2304x128xf32>
      %jit3A_384 = arith.constant 57 : i32
      %broadcast_in_dim3A_385 = vector.broadcast %jit3A_384 : i32 to vector<2304x128xi32>
      %select_n3A_386 = arith.select %gt3A_382, %broadcast_in_dim3A_385, %select_n3A_380 : vector<2304x128xi1>, vector<2304x128xi32>
      %slice3A_387 = vector.extract_strided_slice %dot_general3A_326 {offsets = [0, 1280], sizes = [2304, 128], strides = [1, 1]} : vector<2304x2048xf32> to vector<2304x128xf32>
      %gt3A_388 = arith.cmpf ogt, %slice3A_387, %select_n3A_383 : vector<2304x128xf32>
      %select_n3A_389 = arith.select %gt3A_388, %slice3A_387, %select_n3A_383 : vector<2304x128xi1>, vector<2304x128xf32>
      %jit3A_390 = arith.constant 58 : i32
      %broadcast_in_dim3A_391 = vector.broadcast %jit3A_390 : i32 to vector<2304x128xi32>
      %select_n3A_392 = arith.select %gt3A_388, %broadcast_in_dim3A_391, %select_n3A_386 : vector<2304x128xi1>, vector<2304x128xi32>
      %slice3A_393 = vector.extract_strided_slice %dot_general3A_326 {offsets = [0, 1408], sizes = [2304, 128], strides = [1, 1]} : vector<2304x2048xf32> to vector<2304x128xf32>
      %gt3A_394 = arith.cmpf ogt, %slice3A_393, %select_n3A_389 : vector<2304x128xf32>
      %select_n3A_395 = arith.select %gt3A_394, %slice3A_393, %select_n3A_389 : vector<2304x128xi1>, vector<2304x128xf32>
      %jit3A_396 = arith.constant 59 : i32
      %broadcast_in_dim3A_397 = vector.broadcast %jit3A_396 : i32 to vector<2304x128xi32>
      %select_n3A_398 = arith.select %gt3A_394, %broadcast_in_dim3A_397, %select_n3A_392 : vector<2304x128xi1>, vector<2304x128xi32>
      %slice3A_399 = vector.extract_strided_slice %dot_general3A_326 {offsets = [0, 1536], sizes = [2304, 128], strides = [1, 1]} : vector<2304x2048xf32> to vector<2304x128xf32>
      %gt3A_400 = arith.cmpf ogt, %slice3A_399, %select_n3A_395 : vector<2304x128xf32>
      %select_n3A_401 = arith.select %gt3A_400, %slice3A_399, %select_n3A_395 : vector<2304x128xi1>, vector<2304x128xf32>
      %jit3A_402 = arith.constant 60 : i32
      %broadcast_in_dim3A_403 = vector.broadcast %jit3A_402 : i32 to vector<2304x128xi32>
      %select_n3A_404 = arith.select %gt3A_400, %broadcast_in_dim3A_403, %select_n3A_398 : vector<2304x128xi1>, vector<2304x128xi32>
      %slice3A_405 = vector.extract_strided_slice %dot_general3A_326 {offsets = [0, 1664], sizes = [2304, 128], strides = [1, 1]} : vector<2304x2048xf32> to vector<2304x128xf32>
      %gt3A_406 = arith.cmpf ogt, %slice3A_405, %select_n3A_401 : vector<2304x128xf32>
      %select_n3A_407 = arith.select %gt3A_406, %slice3A_405, %select_n3A_401 : vector<2304x128xi1>, vector<2304x128xf32>
      %jit3A_408 = arith.constant 61 : i32
      %broadcast_in_dim3A_409 = vector.broadcast %jit3A_408 : i32 to vector<2304x128xi32>
      %select_n3A_410 = arith.select %gt3A_406, %broadcast_in_dim3A_409, %select_n3A_404 : vector<2304x128xi1>, vector<2304x128xi32>
      %slice3A_411 = vector.extract_strided_slice %dot_general3A_326 {offsets = [0, 1792], sizes = [2304, 128], strides = [1, 1]} : vector<2304x2048xf32> to vector<2304x128xf32>
      %gt3A_412 = arith.cmpf ogt, %slice3A_411, %select_n3A_407 : vector<2304x128xf32>
      %select_n3A_413 = arith.select %gt3A_412, %slice3A_411, %select_n3A_407 : vector<2304x128xi1>, vector<2304x128xf32>
      %jit3A_414 = arith.constant 62 : i32
      %broadcast_in_dim3A_415 = vector.broadcast %jit3A_414 : i32 to vector<2304x128xi32>
      %select_n3A_416 = arith.select %gt3A_412, %broadcast_in_dim3A_415, %select_n3A_410 : vector<2304x128xi1>, vector<2304x128xi32>
      %slice3A_417 = vector.extract_strided_slice %dot_general3A_326 {offsets = [0, 1920], sizes = [2304, 128], strides = [1, 1]} : vector<2304x2048xf32> to vector<2304x128xf32>
      %gt3A_418 = arith.cmpf ogt, %slice3A_417, %select_n3A_413 : vector<2304x128xf32>
      %select_n3A_419 = arith.select %gt3A_418, %slice3A_417, %select_n3A_413 : vector<2304x128xi1>, vector<2304x128xf32>
      %jit3A_420 = arith.constant 63 : i32
      %broadcast_in_dim3A_421 = vector.broadcast %jit3A_420 : i32 to vector<2304x128xi32>
      %select_n3A_422 = arith.select %gt3A_418, %broadcast_in_dim3A_421, %select_n3A_416 : vector<2304x128xi1>, vector<2304x128xi32>
      %iota3A = tpu.iota {dimensions = array<i32: 1>} : vector<2304x128xi32>
      %mul3A_423 = arith.constant 128 : i32
      %mul3A_424 = vector.broadcast %mul3A_423 : i32 to vector<2304x128xi32>
      %mul3A_425 = arith.muli %select_n3A_422, %mul3A_424 : vector<2304x128xi32>
      %add3A = arith.addi %mul3A_425, %iota3A : vector<2304x128xi32>
      %reduce_max3A = arith.constant dense<0xFF800000> : vector<2304xf32>
      %reduce_max3A_426 = vector.multi_reduction <maximumf>, %select_n3A_419, %reduce_max3A [1] : vector<2304x128xf32> to vector<2304xf32>
      %broadcast_in_dim3A_427 = vector.shape_cast %reduce_max3A_426 : vector<2304xf32> to vector<2304x1xf32>
      %eq3A = vector.broadcast %broadcast_in_dim3A_427 : vector<2304x1xf32> to vector<2304x128xf32>
      %eq3A_428 = arith.cmpf oeq, %select_n3A_419, %eq3A : vector<2304x128xf32>
      %jit3A_429 = arith.constant 8192 : i32
      %broadcast_in_dim3A_430 = vector.broadcast %jit3A_429 : i32 to vector<2304x128xi32>
      %select_n3A_431 = arith.select %eq3A_428, %add3A, %broadcast_in_dim3A_430 : vector<2304x128xi1>, vector<2304x128xi32>
      %reduce_min3A = arith.constant dense<2147483647> : vector<2304xi32>
      %reduce_min3A_432 = vector.multi_reduction <minsi>, %select_n3A_431, %reduce_min3A [1] : vector<2304x128xi32> to vector<2304xi32>
      %reshape3A = vector.shape_cast %reduce_min3A_432 : vector<2304xi32> to vector<1x1x2304xi32>
      %swap3A = arith.constant 0 : index
      %swap3A_433 = arith.constant 0 : index
      %swap3A_434 = arith.constant 0 : index
      %swap3A_435 = vector.load %arg5[%swap3A, %swap3A_433, %swap3A_434] : memref<1x1x2304xi32, #tpu.memory_space<vmem>>, vector<1x1x2304xi32>
      tpu.vector_store %arg5[%swap3A, %swap3A_433, %swap3A_434], %reshape3A {strides = array<i32>} : memref<1x1x2304xi32, #tpu.memory_space<vmem>>, vector<1x1x2304xi32>,
    } else {
    }
    return
  }
  func.func @transform_0(%arg0: i32) -> (i32, i32) {
    %min3A = arith.constant 3 : i32
    %min3A_0 = arith.minsi %arg0, %min3A : i32
    %c0_i32 = arith.constant 0 : i32
    %c0_i32_1 = arith.constant 0 : i32
    return %min3A_0, %c0_i32 : i32, i32
  }
  func.func @transform_1(%arg0: i32) -> (i32, i32) {
    %c0_i32 = arith.constant 0 : i32
    %c0_i32_0 = arith.constant 0 : i32
    %c0_i32_1 = arith.constant 0 : i32
    return %c0_i32, %c0_i32_0 : i32, i32
  }
  func.func @transform_2(%arg0: i32) -> (i32, i32) {
    %sub3A = arith.constant 4 : i32
    %sub3A_0 = arith.subi %arg0, %sub3A : i32
    %max3A = arith.constant 0 : i32
    %max3A_1 = arith.maxsi %sub3A_0, %max3A : i32
    %c0_i32 = arith.constant 0 : i32
    %c0_i32_2 = arith.constant 0 : i32
    return %max3A_1, %c0_i32 : i32, i32
  }
  func.func @transform_3(%arg0: i32) -> (i32, i32) {
    %min3A = arith.constant 3 : i32
    %min3A_0 = arith.minsi %arg0, %min3A : i32
    %c0_i32 = arith.constant 0 : i32
    %c0_i32_1 = arith.constant 0 : i32
    return %min3A_0, %c0_i32 : i32, i32
  }
  func.func @transform_4(%arg0: i32) -> (i32, i32, i32) {
    %sub3A = arith.constant 4 : i32
    %sub3A_0 = arith.subi %arg0, %sub3A : i32
    %max3A = arith.constant 0 : i32
    %max3A_1 = arith.maxsi %sub3A_0, %max3A : i32
    %c0_i32 = arith.constant 0 : i32
    %c0_i32_2 = arith.constant 0 : i32
    %c0_i32_3 = arith.constant 0 : i32
    return %max3A_1, %c0_i32, %c0_i32_2 : i32, i32, i32
  }
}

</mosaic_0001>

<sc_bundles>
// kernel: kernel.5.cloned.1.call-start
scs
__scs_entry_jumppad:
0x0: {  	(pc) =	sbr.rel $0x88, $3  }
0x1: {  	(tag) =	ssettag $0x0;
	lr =	simm.s32 $0x1  }
0x2: {  	[smem:$0x3F9E] =	sst lr;
	_ =	strace $0xD0000000  }
0x3: {  	_ = 	snop  }
0x4: {  	_ = 	snop  }
0x5: {  	_ = 	snop  }
0x6: {  	_ = 	snop  }
0x7: {  	_ = 	snop  }
__scs_overlays_trampoline_lowered:
0x8: {  	[smem:$0x3FAD] =	sst s0  }
0x9: {  	[smem:$0x3FAE] =	sst s1  }
0xa: {  	[smem:$0x3FAF] =	sst s2  }
0xb: {  	[smem:$0x3FB0] =	sst s3  }
0xc: {  	[smem:$0x3FB1] =	sst s4  }
0xd: {  	[smem:$0x3FB2] =	sst s5  }
0xe: {  	[smem:$0x3FB3] =	sst s6  }
0xf: {  	[smem:$0x3FB4] =	sst s7  }
0x10: {  	[smem:$0x3FB5] =	sst s8  }
0x11: {  	[smem:$0x3FB6] =	sst s9;
	s0 =	simm.s32 @!p0 $0x0  }
0x12: {  	s1 =	sld [smem:$0x3F9C];
	s0 =	simm.s32 @p0 $0x1  }
0x13: {  	[smem:$0x3FB7] =	sst s0;
	s0 =	simm.s32 @!p1 $0x0  }
0x14: {  	s2 =	sld [smem:$0x3F9B];
	s0 =	simm.s32 @p1 $0x1  }
0x15: {  	[smem:$0x3FB8] =	sst s0;
	s0 =	simm.s32 @!p2 $0x0  }
0x16: {  	s3 =	sld [smem:$0x3FDB];
	s0 =	simm.s32 @p2 $0x1  }
0x17: {  	s4 =	simm.s32 $0x1BF5;
	[smem:$0x3FBA] =	sst s0  }
0x18: {  	s0 =	sld [smem:$0x3F9D];
	_ =	swait.ge [sflag:s4], $0x0  }
0x19: {  	s7 =	sld [smem:$0x3F9E]  }
0x1a: {  	s8 =	sadd.s32 $0xFFFFE003, lr  }
0x1b: {  	s9 =	sadd.s32 $0xFFFFFEF7, lr;
	s5 =	simm.s32 $0xFFFFFFFF;
	p2 =	slt.u32 s8, $0xFFFFF086  }
0x1c: {  	p1 =	slt.u32 s9, $0xF7A;
	s5 =	simm.s32 @!p2 $0x0  }
0x1d: {  	s5 =	simm.s32 @p1 $0x1;
	p0 =	seq.s32 s7, s2  }
0x1e: {  	s7 =	smul.u32 @!p0 $0xF7A, s2;
	p2 =	seq.s32 @!p0 s5, $0x0  }
0x1f: {  	s9 =	smul.u32 $0xF7A, s1;
	s8 =	simm.s32 @!p0 $0x1BF5;
	p2 =	por !p2, p0  }
0x20: {  	[sflag:s8] =	ssyncset.s32 @!p0 $0xFFFFF086;
	s6 =	sadd.s32 @!p0 s3, s7;
	s7 =	simm.s32 @!p0 $0x108  }
0x21: {  	s3 =	sadd.s32 s3, s9;
	s6 =	sadd.s32 @!p0 $0x88, s6;
	s7 =	simm.s32 @p2 $0x1082  }
0x22: {  	[simem:s7], [sflag:s8] =	dma.local @!p0 [hbm:s6], $0xF7A  }
0x23: {  	s9 =	sor.u32 $0xD0000000, s2;
	s6 =	simm.s32 $0x108;
	_ =	swait.ge @!p0 [sflag:s8], $0x0  }
0x24: {  	s3 =	sadd.s32 $0x88, s3;
	s6 =	simm.s32 @!p1 $0x1082;
	[sflag:s4] =	ssyncset.s32 $0xFFFFF086  }
0x25: {  	[simem:s6], [sflag:s4] =	dma.local [hbm:s3], $0xF7A  }
0x26: {  	[smem:$0x3F9E] =	sst s1;
	(tag) =	ssettag s2;
	_ =	strace s9  }
0x27: {  	s1 =	sld [smem:$0x3FAE]  }
0x28: {  	s2 =	sld [smem:$0x3FAF]  }
0x29: {  	s4 =	sld [smem:$0x3FB1]  }
0x2a: {  	p0 =	seq.s32 s5, $0x0;
	s5 =	sld [smem:$0x3FB2]  }
0x2b: {  	s6 =	sld [smem:$0x3FB3]  }
0x2c: {  	s7 =	sld [smem:$0x3FB4]  }
0x2d: {  	s3 =	simm.s32 $0x108;
	s8 =	sld [smem:$0x3FB5]  }
0x2e: {  	s3 =	simm.s32 @!p0 $0x1082;
	s9 =	sld [smem:$0x3FB6]  }
0x2f: {  	lr =	sadd.s32 s0, s3;
	s0 =	sld [smem:$0x3FAD]  }
0x30: {  	s3 =	sld [smem:$0x3FB0]  }
0x31: {  	[smem:$0x3FB9] =	sst s10  }
0x32: {  	s10 =	sld [smem:$0x3FB7];
	_ =	sdelay $0x3  }
0x33: {  	p0 =	seq.s32 s10, $0x1;
	s10 =	sld [smem:$0x3FB9];
	_ =	sdelay $0x3  }
0x34: {  	[smem:$0x3FB9] =	sst s10  }
0x35: {  	s10 =	sld [smem:$0x3FB8];
	_ =	sdelay $0x3  }
0x36: {  	p1 =	seq.s32 s10, $0x1;
	s10 =	sld [smem:$0x3FB9];
	_ =	sdelay $0x3  }
0x37: {  	[smem:$0x3FB9] =	sst s10  }
0x38: {  	s10 =	sld [smem:$0x3FBA]  }
0x39: {  	_ = 	snop;
	(pc) =	sbr.ind lr, $3  }
0x3a: {  	_ = 	snop  }
0x3b: {  	_ = 	snop  }
0x3c: {  	p2 =	seq.s32 s10, $0x1;
	s10 =	sld [smem:$0x3FB9]  }
0x3d: {  	_ =	shalt  }
0x3e: {  	_ =	shalt  }
0x3f: {  	_ =	shalt  }
0x40: {  	_ =	shalt  }
0x41: {  	_ =	shalt  }
0x42: {  	_ =	shalt  }
0x43: {  	_ =	shalt  }
0x44: {  	_ =	shalt  }
0x45: {  	_ =	shalt  }
0x46: {  	_ =	shalt  }
0x47: {  	_ =	shalt  }
0x48: {  	_ =	shalt  }
0x49: {  	_ =	shalt  }
0x4a: {  	_ =	shalt  }
0x4b: {  	_ =	shalt  }
0x4c: {  	_ =	shalt  }
0x4d: {  	_ =	shalt  }
0x4e: {  	_ =	shalt  }
0x4f: {  	_ =	shalt  }
0x50: {  	_ =	shalt  }
0x51: {  	_ =	shalt  }
0x52: {  	_ =	shalt  }
0x53: {  	_ =	shalt  }
0x54: {  	_ =	shalt  }
0x55: {  	_ =	shalt  }
0x56: {  	_ =	shalt  }
0x57: {  	_ =	shalt  }
0x58: {  	_ =	shalt  }
0x59: {  	_ =	shalt  }
0x5a: {  	_ =	shalt  }
0x5b: {  	_ =	shalt  }
0x5c: {  	_ =	shalt  }
0x5d: {  	_ =	shalt  }
0x5e: {  	_ =	shalt  }
0x5f: {  	_ =	shalt  }
0x60: {  	_ =	shalt  }
0x61: {  	_ =	shalt  }
0x62: {  	_ =	shalt  }
0x63: {  	_ =	shalt  }
0x64: {  	_ =	shalt  }
0x65: {  	_ =	shalt  }
0x66: {  	_ =	shalt  }
0x67: {  	_ =	shalt  }
0x68: {  	_ =	shalt  }
0x69: {  	_ =	shalt  }
0x6a: {  	_ =	shalt  }
0x6b: {  	_ =	shalt  }
0x6c: {  	_ =	shalt  }
0x6d: {  	_ =	shalt  }
0x6e: {  	_ =	shalt  }
0x6f: {  	_ =	shalt  }
0x70: {  	_ =	shalt  }
0x71: {  	_ =	shalt  }
0x72: {  	_ =	shalt  }
0x73: {  	_ =	shalt  }
0x74: {  	_ =	shalt  }
0x75: {  	_ =	shalt  }
0x76: {  	_ =	shalt  }
0x77: {  	_ =	shalt  }
0x78: {  	_ =	shalt  }
0x79: {  	_ =	shalt  }
0x7a: {  	_ =	shalt  }
0x7b: {  	_ =	shalt  }
0x7c: {  	_ =	shalt  }
0x7d: {  	_ =	shalt  }
0x7e: {  	_ =	shalt  }
0x7f: {  	_ =	shalt  }
0x80: {  	_ =	shalt  }
0x81: {  	_ =	shalt  }
0x82: {  	_ =	shalt  }
0x83: {  	_ =	shalt  }
0x84: {  	_ =	shalt  }
0x85: {  	_ =	shalt  }
0x86: {  	_ =	shalt  }
0x87: {  	_ =	shalt  }
.Lfunc_end0:
.L_simem_size_0:
called_computation_lowered:
.L_overlay_start_0:
0x88: {  	s2 =	sld [smem:$0x3FD9]  }
0x89: {  	s3 =	sld [smem:$0x3FFE];
	_ =	sdelay $0x1  }
0x8a: {  	s1 =	srdreg.scid  }
0x8b: {  	s0 =	sand.u32 $0x1, s1  }
0x8c: {  	s14 =	sshll.u32 s0, $0xA;
	s2 =	sadd.s32 s3, s2  }
0x8d: {  	s2 =	sadd.s32 s2, s14  }
0x8e: {  	[smem:$0x3FC5] =	sst s2  }
0x8f: {  	_ = 	snop  }
0x90: {  	s2 =	sld [smem:$0x3FD0];
	_ =	sdelay $0x2  }
0x91: {  	s15 =	simm.s32 $0xA;
	s4 =	simm.s32 $0x10  }
0x92: {  	[smem:s4], [sflag:s15] =	dma.local [hbm:s2], $0x1  }
0x93: {  	_ =	swait.eq [sflag:s15], $0x1  }
0x94: {  	[sflag:s15] =	ssyncset.done $0x0  }
0x95: {  	[sflag:s15] =	ssyncadd.s32 $0xFFFFFFFF  }
0x96: {  	s16 =	sld [smem:$0x10];
	(tm) =	ssettm $0x1  }
0x97: {  	s17 =	sld [smem:$0x3FFB];
	_ =	sdelay $0x3  }
0x98: {  	_ =	strace s17  }
0x99: {  	s3 =	sld [smem:$0x3FFC];
	_ =	sdelay $0x3  }
0x9a: {  	_ =	strace s3  }
0x9b: {  	s3 =	sld [smem:$0x3FFD];
	_ =	sdelay $0x3  }
0x9c: {  	_ =	strace s3  }
0x9d: {  	_ =	strace $0x8FFFFFFF  }
0x9e: {  	s18 =	sld [smem:$0x3FDB];
	_ =	sdelay $0x1  }
0x9f: {  	s19 =	simm.s32 $_scs_section_size  }
0xa0: {  	s5 =	simm.s32 $_size__tile_overlayer_lowered;
	s6 =	simm.s32 $_tile_overlayer_lowered  }
0xa1: {  	s22 =	simm.s32 $0x1BFF;
	s21 =	sshll.u32 s6, $0x1;
	s3 =	sadd.s32 s19, s18  }
0xa2: {  	s7 =	simm.s32 $0x0;
	s20 =	sshll.u32 s5, $0x1;
	s5 =	sadd.s32 s21, s3  }
0xa3: {  	[timem:s7], [sflag:s22] =	dma.local [hbm:s5], s20  }
0xa4: {  	_ =	swait.ge [sflag:s22], s20  }
0xa5: {  	s4 =	ssub.s32 $0x0, s20;
	[sflag:s22] =	ssyncset.done $0x0  }
0xa6: {  	[sflag:s22] =	ssyncadd.s32 s4;
	_ =	sdelay $0x1  }
0xa7: {  	s23 =	simm.s32 $0x1B8B  }
0xa8: {  	_ =	swait.ge [sflag:s23], $0x1  }
0xa9: {  	[sflag:s23] =	ssyncset.done $0x0  }
0xaa: {  	s25 =	simm.s32 $0x1B8E;
	s24 =	sld [smem:$0x3FFE];
	[sflag:s23] =	ssyncadd.s32 $0xFFFFFFFF  }
0xab: {  	s26 =	simm.s32 $execute0_lowered;
	[smem:$0x3FD2] =	sst s25  }
0xac: {  	s5 =	sshll.u32 s26, $0x1;
	_ =	strace $0x80000046;
	[dreg:$0x1] =	wrdreg $0xFFFFFFFF  }
0xad: {  	s28 =	simm.s32 $_size_execute0_lowered;
	s3 =	sadd.s32 s3, s5;
	[dreg:$0x0] =	wrdreg $0x0  }
0xae: {  	s5 =	sshll.u32 s28, $0x1;
	[dreg:$0x2] =	wrdreg s3  }
0xaf: {  	[dreg:$0x3] =	wrdreg s5  }
0xb0: {  	[dreg:$0x4] =	wrdreg $0xC0  }
0xb1: {  	_ =	task [dreg:s7], $0x5FFFF  }
0xb2: {  	[dreg:$0x1] =	wrdreg $0xFFFFFFFF  }
0xb3: {  	[dreg:$0x0] =	wrdreg $0x60  }
0xb4: {  	[dreg:$0x2] =	wrdreg s24  }
0xb5: {  	[dreg:$0x3] =	wrdreg s16  }
0xb6: {  	[dreg:$0x4] =	wrdreg $0x9  }
0xb7: {  	_ =	task.clear_ibuf [dreg:s7], $0x5FFFF;
	_ =	strace $0x90000046  }
0xb8: {  	s29 =	simm.s32 $0x9;
	_ =	strace $0x80000048  }
0xb9: {  	_ =	swait.ge [sflag:s29], $0x1  }
0xba: {  	[sflag:s29] =	ssyncadd.s32 $0xFFFFFFFF  }
0xbb: {  	_ =	strace $0x90000048  }
0xbc: {  	_ =	sfence  }
0xbd: {  	s30 =	sld [smem:$0x0];
	_ =	sdelay $0x2  }
0xbe: {  	s31 =	sshll.u32 s1, $0xD;
	s1 =	sshrl.u32 s1, $0x2  }
0xbf: {  	s3 =	sand.u32 $0x4000, s31;
	s1 =	sadd.s32 s1, s30  }
0xc0: {  	s0 =	sor.u32 s3, s0;
	s1 =	sshll.u32 s1, $0x11  }
0xc1: {  	s0 =	sor.u32 s1, s0  }
0xc2: {  	s0 =	sadd.s32 $0x8F2B, s0  }
0xc3: {  	[sflag:s0] =	ssyncadd.remote.s32 $0x1  }
0xc4: {  	_ =	sfence.sel $0xFFFF  }
0xc5: {  	[dreg:$0x0] =	wrdreg $0xFFFFFFFF;
	(pc) =	sbr.abs _section_cstart, $3  }
0xc6: {  	[dreg:$0x1] =	wrdreg $0xFFFFFFFF  }
0xc7: {  	_ =	task.clear_ibuf [dreg:s7], $0x2FFFF;
	_ =	strace $0x9FFFFFFF  }
0xc8: {  	(tm) =	ssettm $0x7FFFFFFF  }
0xc9: {  	_ =	shalt  }
tec
execute0_lowered:
.L_overlay_start_1:
0x0: {  	(tag) =	ssettag $0x1  }
0x1: {  	s1 =	srdreg.scid;
	s3 =	rddreg [dreg:$0x0]  }
0x2: {  	s0 =	stileid.u32;
	s4 =	rddreg [dreg:$0x1]  }
0x3: {  	s15 =	simm.s32 $0xA00;
	s16 =	simm.s32 $0x1200;
	s17 =	simm.s32 $0x1A00  }
0x4: {  	s18 =	simm.s32 $0x2200;
	s19 =	simm.s32 $0x2A00;
	s20 =	simm.s32 $0x3200  }
0x5: {  	s21 =	simm.s32 $0x3A00;
	s1 =	sand.u32 $0x1, s1;
	s2 =	sshll.u32 s0, $0x1  }
0x6: {  	s23 =	simm.s32 $0x4200;
	s5 =	sor.u32 s1, s2;
	s2 =	simm.s32 $0x0  }
0x7: {  	s24 =	simm.s32 $0x4A00;
	s25 =	simm.s32 $0x5200;
	[smem:$0x7FF] =	sst s2  }
0x8: {  	s26 =	simm.s32 $0x5A00;
	_ =	strace $0x80000047;
	[dreg:$0x5] =	wrdreg s15  }
0x9: {  	s8 =	simm.s32 $0x6A00;
	s9 =	simm.s32 $0x7200;
	[dreg:$0x6] =	wrdreg s16  }
0xa: {  	s10 =	simm.s32 $0x7A00;
	s11 =	simm.s32 $0x8200;
	[dreg:$0x7] =	wrdreg s17  }
0xb: {  	s12 =	simm.s32 $0x8A00;
	s13 =	simm.s32 $0x9200;
	[dreg:$0x8] =	wrdreg s18  }
0xc: {  	s14 =	simm.s32 $0x9A00;
	s28 =	simm.s32 $0x10200;
	[dreg:$0x9] =	wrdreg s19  }
0xd: {  	s29 =	simm.s32 $0x10A00;
	s30 =	simm.s32 $0x11200;
	[dreg:$0xa] =	wrdreg s20  }
0xe: {  	s31 =	simm.s32 $0x11A00;
	s1 =	ssub.s32 $0x2, s1;
	[dreg:$0xb] =	wrdreg s21  }
0xf: {  	s6 =	sshll.u32 s5, $0x6;
	s5 =	smul.u32 $0x2400, s5;
	[dreg:$0xc] =	wrdreg s23  }
0x10: {  	s22 =	sshrl.u32 s1, $0x1;
	s6 =	sadd.s32 s6, s3;
	[dreg:$0xd] =	wrdreg s24  }
0x11: {  	s3 =	sadd.s32 $0x1800, s3;
	s1 =	ssub.s32 s1, s22;
	[dreg:$0xe] =	wrdreg s25  }
0x12: {  	[dreg:$0xf] =	wrdreg s26;
	s15 =	simm.s32 $0xA200;
	s16 =	simm.s32 $0xAA00  }
0x13: {  	s17 =	simm.s32 $0xB200;
	s18 =	simm.s32 $0xBA00;
	s19 =	simm.s32 $0xC200  }
0x14: {  	s20 =	simm.s32 $0xCA00;
	s21 =	simm.s32 $0xD200;
	s22 =	simm.s32 $0xDA00  }
0x15: {  	s23 =	simm.s32 $0xE200;
	s24 =	simm.s32 $0xEA00;
	s6 =	sadd.s32 $0x41800, s6  }
0x16: {  	v2 =	vlaneseq.u32;
	s25 =	simm.s32 $0xF200;
	s4 =	sadd.s32 s4, s5;
	[dreg:$0x3] =	wrdreg s6  }
0x17: {  	vm0 =	vmmov $0xffff;
	v1 =	vshrl.u32 v2, $0x3;
	s26 =	simm.s32 $0xFA00;
	s5 =	simm.s32 $0x2;
	[dreg:$0x4] =	wrdreg s4  }
0x18: {  	v0 =	vand.u32 $0x7, v2;
	v2 =	vor.u32 $0x8, v2;
	v1 =	vmul.u32 $0x8, v1;
	s4 =	smax.u32 s1, $0x1;
	s6 =	simm.s32 $0x200;
	s1 =	simm.s32 $0x1  }
.LBB2_1:
0x19: {  	s0 =	rddreg [dreg:$0x3]  }
0x1a: {  	[tilespmem:s2], [sflag:$0x2] =	stream.linear.gather [hbm4b:s0+s2], $0x180, $0x38;
	[tilespmem:$0x12200] =	vst v63  }
0x1b: {  	_ =	swait.ge [sflag:s5], $0x180  }
0x1c: {  	[sflag:s5] =	ssyncset.done $0x0  }
0x1d: {  	[sflag:s5] =	ssyncadd.s32 $0xFFFFFE80  }
0x1e: {  	v3 =	vld [tilespmem:$0x0];
	_ =	sdelay $0x4  }
0x1f: {  	v4 =	vshll.u32 v3, $0x1  }
0x20: {  	v3 =	vand.u32 $0x7, v3;
	v4 =	vand.u32 $0xFFFFFFF0, v4  }
0x21: {  	v3 =	vor.u32 v3, v4  }
0x22: {  	v4 =	vperm.xlane v3, v0;
	_ =	sdelay $0x1  }
0x23: {  	v3 =	vperm.xlane v3, v2;
	v4 =	vadd.s32 v1, v4;
	_ =	sdelay $0x1  }
0x24: {  	v3 =	vadd.s32 v1, v3;
	_ =	sdelay $0x2  }
0x25: {  	[tilespmem:s6], [sflag:$0x1] =	stream.indirect_vreg.gather [hbm4b:s3+s2], $0x80, v4, vm0, $0xb8;
	[tilespmem:$0x12200] =	vst v63  }
0x26: {  	s7 =	rddreg [dreg:$0x5]  }
0x27: {  	[tilespmem:s7], [sflag:$0x1] =	stream.indirect_vreg.gather [hbm4b:s3+s2], $0x80, v3, vm0, $0xb8;
	[tilespmem:$0x12200] =	vst v63  }
0x28: {  	v3 =	vld [tilespmem:$0x10];
	_ =	sdelay $0x4  }
0x29: {  	v47 =	vshll.u32 v3, $0x1  }
0x2a: {  	v3 =	vand.u32 $0x7, v3;
	v4 =	vand.u32 $0xFFFFFFF0, v47  }
0x2b: {  	v3 =	vor.u32 v3, v4  }
0x2c: {  	v4 =	vperm.xlane v3, v0;
	_ =	sdelay $0x1  }
0x2d: {  	v3 =	vperm.xlane v3, v2;
	v4 =	vadd.s32 v1, v4;
	_ =	sdelay $0x1  }
0x2e: {  	v3 =	vadd.s32 v1, v3;
	_ =	sdelay $0x1  }
0x2f: {  	s0 =	rddreg [dreg:$0x6]  }
0x30: {  	[tilespmem:s0], [sflag:$0x1] =	stream.indirect_vreg.gather [hbm4b:s3+s2], $0x80, v4, vm0, $0xb8;
	[tilespmem:$0x12200] =	vst v63  }
0x31: {  	s7 =	rddreg [dreg:$0x7]  }
0x32: {  	[tilespmem:s7], [sflag:$0x1] =	stream.indirect_vreg.gather [hbm4b:s3+s2], $0x80, v3, vm0, $0xb8;
	[tilespmem:$0x12200] =	vst v63  }
0x33: {  	v3 =	vld [tilespmem:$0x20];
	_ =	sdelay $0x4  }
0x34: {  	v48 =	vshll.u32 v3, $0x1  }
0x35: {  	v3 =	vand.u32 $0x7, v3;
	v4 =	vand.u32 $0xFFFFFFF0, v48  }
0x36: {  	v3 =	vor.u32 v3, v4  }
0x37: {  	v4 =	vperm.xlane v3, v0;
	_ =	sdelay $0x1  }
0x38: {  	v3 =	vperm.xlane v3, v2;
	v4 =	vadd.s32 v1, v4;
	_ =	sdelay $0x1  }
0x39: {  	v3 =	vadd.s32 v1, v3;
	_ =	sdelay $0x1  }
0x3a: {  	s0 =	rddreg [dreg:$0x8]  }
0x3b: {  	[tilespmem:s0], [sflag:$0x1] =	stream.indirect_vreg.gather [hbm4b:s3+s2], $0x80, v4, vm0, $0xb8;
	[tilespmem:$0x12200] =	vst v63  }
0x3c: {  	s7 =	rddreg [dreg:$0x9]  }
0x3d: {  	[tilespmem:s7], [sflag:$0x1] =	stream.indirect_vreg.gather [hbm4b:s3+s2], $0x80, v3, vm0, $0xb8;
	[tilespmem:$0x12200] =	vst v63  }
0x3e: {  	v3 =	vld [tilespmem:$0x30];
	_ =	sdelay $0x4  }
0x3f: {  	v49 =	vshll.u32 v3, $0x1  }
0x40: {  	v3 =	vand.u32 $0x7, v3;
	v4 =	vand.u32 $0xFFFFFFF0, v49  }
0x41: {  	v3 =	vor.u32 v3, v4  }
0x42: {  	v4 =	vperm.xlane v3, v0;
	_ =	sdelay $0x1  }
0x43: {  	v3 =	vperm.xlane v3, v2;
	v4 =	vadd.s32 v1, v4;
	_ =	sdelay $0x1  }
0x44: {  	v3 =	vadd.s32 v1, v3;
	_ =	sdelay $0x1  }
0x45: {  	s0 =	rddreg [dreg:$0xa]  }
0x46: {  	[tilespmem:s0], [sflag:$0x1] =	stream.indirect_vreg.gather [hbm4b:s3+s2], $0x80, v4, vm0, $0xb8;
	[tilespmem:$0x12200] =	vst v63  }
0x47: {  	s7 =	rddreg [dreg:$0xb]  }
0x48: {  	[tilespmem:s7], [sflag:$0x1] =	stream.indirect_vreg.gather [hbm4b:s3+s2], $0x80, v3, vm0, $0xb8;
	[tilespmem:$0x12200] =	vst v63  }
0x49: {  	v3 =	vld [tilespmem:$0x40];
	_ =	sdelay $0x4  }
0x4a: {  	v50 =	vshll.u32 v3, $0x1  }
0x4b: {  	v3 =	vand.u32 $0x7, v3;
	v4 =	vand.u32 $0xFFFFFFF0, v50  }
0x4c: {  	v3 =	vor.u32 v3, v4  }
0x4d: {  	v4 =	vperm.xlane v3, v0;
	_ =	sdelay $0x1  }
0x4e: {  	v3 =	vperm.xlane v3, v2;
	v4 =	vadd.s32 v1, v4;
	_ =	sdelay $0x1  }
0x4f: {  	v3 =	vadd.s32 v1, v3;
	_ =	sdelay $0x1  }
0x50: {  	s0 =	rddreg [dreg:$0xc]  }
0x51: {  	[tilespmem:s0], [sflag:$0x1] =	stream.indirect_vreg.gather [hbm4b:s3+s2], $0x80, v4, vm0, $0xb8;
	[tilespmem:$0x12200] =	vst v63  }
0x52: {  	s7 =	rddreg [dreg:$0xd]  }
0x53: {  	[tilespmem:s7], [sflag:$0x1] =	stream.indirect_vreg.gather [hbm4b:s3+s2], $0x80, v3, vm0, $0xb8;
	[tilespmem:$0x12200] =	vst v63  }
0x54: {  	v3 =	vld [tilespmem:$0x50];
	_ =	sdelay $0x4  }
0x55: {  	v51 =	vshll.u32 v3, $0x1  }
0x56: {  	v3 =	vand.u32 $0x7, v3;
	v4 =	vand.u32 $0xFFFFFFF0, v51  }
0x57: {  	v3 =	vor.u32 v3, v4  }
0x58: {  	v4 =	vperm.xlane v3, v0;
	_ =	sdelay $0x1  }
0x59: {  	v3 =	vperm.xlane v3, v2;
	v4 =	vadd.s32 v1, v4;
	_ =	sdelay $0x1  }
0x5a: {  	v3 =	vadd.s32 v1, v3;
	_ =	sdelay $0x1  }
0x5b: {  	s0 =	rddreg [dreg:$0xe]  }
0x5c: {  	[tilespmem:s0], [sflag:$0x1] =	stream.indirect_vreg.gather [hbm4b:s3+s2], $0x80, v4, vm0, $0xb8;
	[tilespmem:$0x12200] =	vst v63  }
0x5d: {  	s7 =	rddreg [dreg:$0xf]  }
0x5e: {  	[tilespmem:s7], [sflag:$0x1] =	stream.indirect_vreg.gather [hbm4b:s3+s2], $0x80, v3, vm0, $0xb8;
	[tilespmem:$0x12200] =	vst v63  }
0x5f: {  	v3 =	vld [tilespmem:$0x80];
	_ =	sdelay $0x4  }
0x60: {  	v52 =	vshll.u32 v3, $0x1  }
0x61: {  	v3 =	vand.u32 $0x7, v3;
	v4 =	vand.u32 $0xFFFFFFF0, v52  }
0x62: {  	v3 =	vor.u32 v3, v4  }
0x63: {  	v4 =	vperm.xlane v3, v0;
	_ =	sdelay $0x1  }
0x64: {  	v3 =	vperm.xlane v3, v2;
	v4 =	vadd.s32 v1, v4;
	_ =	sdelay $0x1  }
0x65: {  	v3 =	vadd.s32 v1, v3;
	_ =	sdelay $0x1  }
0x66: {  	s7 =	simm.s32 $0x6200  }
0x67: {  	[tilespmem:s7], [sflag:$0x1] =	stream.indirect_vreg.gather [hbm4b:s3+s2], $0x80, v4, vm0, $0xb8;
	[tilespmem:$0x12200] =	vst v63  }
0x68: {  	_ = 	snop  }
0x69: {  	[tilespmem:s8], [sflag:$0x1] =	stream.indirect_vreg.gather [hbm4b:s3+s2], $0x80, v3, vm0, $0xb8;
	[tilespmem:$0x12200] =	vst v63  }
0x6a: {  	v3 =	vld [tilespmem:$0x90];
	_ =	sdelay $0x4  }
0x6b: {  	v53 =	vshll.u32 v3, $0x1  }
0x6c: {  	v3 =	vand.u32 $0x7, v3;
	v4 =	vand.u32 $0xFFFFFFF0, v53  }
0x6d: {  	v3 =	vor.u32 v3, v4  }
0x6e: {  	v4 =	vperm.xlane v3, v0;
	_ =	sdelay $0x1  }
0x6f: {  	v3 =	vperm.xlane v3, v2;
	v4 =	vadd.s32 v1, v4;
	_ =	sdelay $0x1  }
0x70: {  	v3 =	vadd.s32 v1, v3;
	_ =	sdelay $0x2  }
0x71: {  	[tilespmem:s9], [sflag:$0x1] =	stream.indirect_vreg.gather [hbm4b:s3+s2], $0x80, v4, vm0, $0xb8;
	[tilespmem:$0x12200] =	vst v63  }
0x72: {  	_ = 	snop  }
0x73: {  	[tilespmem:s10], [sflag:$0x1] =	stream.indirect_vreg.gather [hbm4b:s3+s2], $0x80, v3, vm0, $0xb8;
	[tilespmem:$0x12200] =	vst v63  }
0x74: {  	v3 =	vld [tilespmem:$0xA0];
	_ =	sdelay $0x4  }
0x75: {  	v54 =	vshll.u32 v3, $0x1  }
0x76: {  	v3 =	vand.u32 $0x7, v3;
	v4 =	vand.u32 $0xFFFFFFF0, v54  }
0x77: {  	v3 =	vor.u32 v3, v4  }
0x78: {  	v4 =	vperm.xlane v3, v0;
	_ =	sdelay $0x1  }
0x79: {  	v3 =	vperm.xlane v3, v2;
	v4 =	vadd.s32 v1, v4;
	_ =	sdelay $0x1  }
0x7a: {  	v3 =	vadd.s32 v1, v3;
	_ =	sdelay $0x2  }
0x7b: {  	[tilespmem:s11], [sflag:$0x1] =	stream.indirect_vreg.gather [hbm4b:s3+s2], $0x80, v4, vm0, $0xb8;
	[tilespmem:$0x12200] =	vst v63  }
0x7c: {  	_ = 	snop  }
0x7d: {  	[tilespmem:s12], [sflag:$0x1] =	stream.indirect_vreg.gather [hbm4b:s3+s2], $0x80, v3, vm0, $0xb8;
	[tilespmem:$0x12200] =	vst v63  }
0x7e: {  	v3 =	vld [tilespmem:$0xB0];
	_ =	sdelay $0x4  }
0x7f: {  	v55 =	vshll.u32 v3, $0x1  }
0x80: {  	v3 =	vand.u32 $0x7, v3;
	v4 =	vand.u32 $0xFFFFFFF0, v55  }
0x81: {  	v3 =	vor.u32 v3, v4  }
0x82: {  	v4 =	vperm.xlane v3, v0;
	_ =	sdelay $0x1  }
0x83: {  	v3 =	vperm.xlane v3, v2;
	v4 =	vadd.s32 v1, v4;
	_ =	sdelay $0x1  }
0x84: {  	v3 =	vadd.s32 v1, v3;
	_ =	sdelay $0x2  }
0x85: {  	[tilespmem:s13], [sflag:$0x1] =	stream.indirect_vreg.gather [hbm4b:s3+s2], $0x80, v4, vm0, $0xb8;
	[tilespmem:$0x12200] =	vst v63  }
0x86: {  	_ = 	snop  }
0x87: {  	[tilespmem:s14], [sflag:$0x1] =	stream.indirect_vreg.gather [hbm4b:s3+s2], $0x80, v3, vm0, $0xb8;
	[tilespmem:$0x12200] =	vst v63  }
0x88: {  	v3 =	vld [tilespmem:$0xC0];
	_ =	sdelay $0x4  }
0x89: {  	v56 =	vshll.u32 v3, $0x1  }
0x8a: {  	v3 =	vand.u32 $0x7, v3;
	v4 =	vand.u32 $0xFFFFFFF0, v56  }
0x8b: {  	v3 =	vor.u32 v3, v4  }
0x8c: {  	v4 =	vperm.xlane v3, v0;
	_ =	sdelay $0x1  }
0x8d: {  	v3 =	vperm.xlane v3, v2;
	v4 =	vadd.s32 v1, v4;
	_ =	sdelay $0x1  }
0x8e: {  	v3 =	vadd.s32 v1, v3;
	_ =	sdelay $0x2  }
0x8f: {  	[tilespmem:s15], [sflag:$0x1] =	stream.indirect_vreg.gather [hbm4b:s3+s2], $0x80, v4, vm0, $0xb8;
	[tilespmem:$0x12200] =	vst v63  }
0x90: {  	_ = 	snop  }
0x91: {  	[tilespmem:s16], [sflag:$0x1] =	stream.indirect_vreg.gather [hbm4b:s3+s2], $0x80, v3, vm0, $0xb8;
	[tilespmem:$0x12200] =	vst v63  }
0x92: {  	v3 =	vld [tilespmem:$0xD0];
	_ =	sdelay $0x4  }
0x93: {  	v57 =	vshll.u32 v3, $0x1  }
0x94: {  	v3 =	vand.u32 $0x7, v3;
	v4 =	vand.u32 $0xFFFFFFF0, v57  }
0x95: {  	v3 =	vor.u32 v3, v4  }
0x96: {  	v4 =	vperm.xlane v3, v0;
	_ =	sdelay $0x1  }
0x97: {  	v3 =	vperm.xlane v3, v2;
	v4 =	vadd.s32 v1, v4;
	_ =	sdelay $0x1  }
0x98: {  	v3 =	vadd.s32 v1, v3;
	_ =	sdelay $0x2  }
0x99: {  	[tilespmem:s17], [sflag:$0x1] =	stream.indirect_vreg.gather [hbm4b:s3+s2], $0x80, v4, vm0, $0xb8;
	[tilespmem:$0x12200] =	vst v63  }
0x9a: {  	_ = 	snop  }
0x9b: {  	[tilespmem:s18], [sflag:$0x1] =	stream.indirect_vreg.gather [hbm4b:s3+s2], $0x80, v3, vm0, $0xb8;
	[tilespmem:$0x12200] =	vst v63  }
0x9c: {  	v3 =	vld [tilespmem:$0x100];
	_ =	sdelay $0x4  }
0x9d: {  	v58 =	vshll.u32 v3, $0x1  }
0x9e: {  	v3 =	vand.u32 $0x7, v3;
	v4 =	vand.u32 $0xFFFFFFF0, v58  }
0x9f: {  	v3 =	vor.u32 v3, v4  }
0xa0: {  	v4 =	vperm.xlane v3, v0;
	_ =	sdelay $0x1  }
0xa1: {  	v3 =	vperm.xlane v3, v2;
	v4 =	vadd.s32 v1, v4;
	_ =	sdelay $0x1  }
0xa2: {  	v3 =	vadd.s32 v1, v3;
	_ =	sdelay $0x2  }
0xa3: {  	[tilespmem:s19], [sflag:$0x1] =	stream.indirect_vreg.gather [hbm4b:s3+s2], $0x80, v4, vm0, $0xb8;
	[tilespmem:$0x12200] =	vst v63  }
0xa4: {  	_ = 	snop  }
0xa5: {  	[tilespmem:s20], [sflag:$0x1] =	stream.indirect_vreg.gather [hbm4b:s3+s2], $0x80, v3, vm0, $0xb8;
	[tilespmem:$0x12200] =	vst v63  }
0xa6: {  	v3 =	vld [tilespmem:$0x110];
	_ =	sdelay $0x4  }
0xa7: {  	v59 =	vshll.u32 v3, $0x1  }
0xa8: {  	v3 =	vand.u32 $0x7, v3;
	v4 =	vand.u32 $0xFFFFFFF0, v59  }
0xa9: {  	v3 =	vor.u32 v3, v4  }
0xaa: {  	v4 =	vperm.xlane v3, v0;
	_ =	sdelay $0x1  }
0xab: {  	v3 =	vperm.xlane v3, v2;
	v4 =	vadd.s32 v1, v4;
	_ =	sdelay $0x1  }
0xac: {  	v3 =	vadd.s32 v1, v3;
	_ =	sdelay $0x2  }
0xad: {  	[tilespmem:s21], [sflag:$0x1] =	stream.indirect_vreg.gather [hbm4b:s3+s2], $0x80, v4, vm0, $0xb8;
	[tilespmem:$0x12200] =	vst v63  }
0xae: {  	_ = 	snop  }
0xaf: {  	[tilespmem:s22], [sflag:$0x1] =	stream.indirect_vreg.gather [hbm4b:s3+s2], $0x80, v3, vm0, $0xb8;
	[tilespmem:$0x12200] =	vst v63  }
0xb0: {  	v3 =	vld [tilespmem:$0x120];
	_ =	sdelay $0x4  }
0xb1: {  	v60 =	vshll.u32 v3, $0x1  }
0xb2: {  	v3 =	vand.u32 $0x7, v3;
	v4 =	vand.u32 $0xFFFFFFF0, v60  }
0xb3: {  	v3 =	vor.u32 v3, v4  }
0xb4: {  	v4 =	vperm.xlane v3, v0;
	_ =	sdelay $0x1  }
0xb5: {  	v3 =	vperm.xlane v3, v2;
	v4 =	vadd.s32 v1, v4;
	_ =	sdelay $0x1  }
0xb6: {  	v3 =	vadd.s32 v1, v3;
	_ =	sdelay $0x2  }
0xb7: {  	[tilespmem:s23], [sflag:$0x1] =	stream.indirect_vreg.gather [hbm4b:s3+s2], $0x80, v4, vm0, $0xb8;
	[tilespmem:$0x12200] =	vst v63  }
0xb8: {  	_ = 	snop  }
0xb9: {  	[tilespmem:s24], [sflag:$0x1] =	stream.indirect_vreg.gather [hbm4b:s3+s2], $0x80, v3, vm0, $0xb8;
	[tilespmem:$0x12200] =	vst v63  }
0xba: {  	v3 =	vld [tilespmem:$0x130];
	_ =	sdelay $0x4  }
0xbb: {  	v61 =	vshll.u32 v3, $0x1  }
0xbc: {  	v3 =	vand.u32 $0x7, v3;
	v4 =	vand.u32 $0xFFFFFFF0, v61  }
0xbd: {  	v3 =	vor.u32 v3, v4  }
0xbe: {  	v4 =	vperm.xlane v3, v0;
	_ =	sdelay $0x1  }
0xbf: {  	v3 =	vperm.xlane v3, v2;
	v4 =	vadd.s32 v1, v4;
	_ =	sdelay $0x1  }
0xc0: {  	v3 =	vadd.s32 v1, v3;
	_ =	sdelay $0x2  }
0xc1: {  	[tilespmem:s25], [sflag:$0x1] =	stream.indirect_vreg.gather [hbm4b:s3+s2], $0x80, v4, vm0, $0xb8;
	[tilespmem:$0x12200] =	vst v63  }
0xc2: {  	_ = 	snop  }
0xc3: {  	[tilespmem:s26], [sflag:$0x1] =	stream.indirect_vreg.gather [hbm4b:s3+s2], $0x80, v3, vm0, $0xb8;
	[tilespmem:$0x12200] =	vst v63  }
0xc4: {  	v3 =	vld [tilespmem:$0x140];
	_ =	sdelay $0x4  }
0xc5: {  	v62 =	vshll.u32 v3, $0x1  }
0xc6: {  	v3 =	vand.u32 $0x7, v3;
	v4 =	vand.u32 $0xFFFFFFF0, v62  }
0xc7: {  	v3 =	vor.u32 v3, v4  }
0xc8: {  	v4 =	vperm.xlane v3, v0;
	_ =	sdelay $0x1  }
0xc9: {  	v3 =	vperm.xlane v3, v2;
	v4 =	vadd.s32 v1, v4;
	_ =	sdelay $0x1  }
0xca: {  	v3 =	vadd.s32 v1, v3;
	_ =	sdelay $0x2  }
0xcb: {  	[tilespmem:s28], [sflag:$0x1] =	stream.indirect_vreg.gather [hbm4b:s3+s2], $0x80, v4, vm0, $0xb8;
	[tilespmem:$0x12200] =	vst v63  }
0xcc: {  	_ = 	snop  }
0xcd: {  	[tilespmem:s29], [sflag:$0x1] =	stream.indirect_vreg.gather [hbm4b:s3+s2], $0x80, v3, vm0, $0xb8;
	[tilespmem:$0x12200] =	vst v63  }
0xce: {  	v3 =	vld [tilespmem:$0x150];
	_ =	sdelay $0x4  }
0xcf: {  	v63 =	vshll.u32 v3, $0x1  }
0xd0: {  	v3 =	vand.u32 $0x7, v3;
	v4 =	vand.u32 $0xFFFFFFF0, v63  }
0xd1: {  	v3 =	vor.u32 v3, v4  }
0xd2: {  	v4 =	vperm.xlane v3, v0;
	_ =	sdelay $0x1  }
0xd3: {  	v3 =	vperm.xlane v3, v2;
	v4 =	vadd.s32 v1, v4;
	_ =	sdelay $0x1  }
0xd4: {  	v3 =	vadd.s32 v1, v3;
	_ =	sdelay $0x2  }
0xd5: {  	[tilespmem:s30], [sflag:$0x1] =	stream.indirect_vreg.gather [hbm4b:s3+s2], $0x80, v4, vm0, $0xb8;
	[tilespmem:$0x12200] =	vst v63  }
0xd6: {  	_ = 	snop  }
0xd7: {  	[tilespmem:s31], [sflag:$0x1] =	stream.indirect_vreg.gather [hbm4b:s3+s2], $0x80, v3, vm0, $0xb8;
	[tilespmem:$0x12200] =	vst v63  }
0xd8: {  	_ =	swait.ge [sflag:s1], $0x6000  }
0xd9: {  	[sflag:s1] =	ssyncset.done $0x0  }
0xda: {  	[sflag:s1] =	ssyncadd.s32 $0xFFFFA000  }
0xdb: {  	_ =	swait.ge [sflag:s1], $0x6000  }
0xdc: {  	[sflag:s1] =	ssyncset.done $0x0  }
0xdd: {  	[sflag:s1] =	ssyncadd.s32 $0xFFFFA000  }
0xde: {  	_ =	swait.ge [sflag:s1], $0x6000  }
0xdf: {  	p0 =	sne.s32 s4, $0x1;
	[sflag:s1] =	ssyncset.done $0x0  }
.Ltmp0:
0xe0: {  	s7 =	rddreg [dreg:$0x4];
	[sflag:s1] =	ssyncadd.s32 $0xFFFFA000;
	(pc) =	sbr.rel @p0 .LBB2_1-.Ltmp0, $4  }
0xe1: {  	[hbm4b:s7+s2] =	stream.linear.scatter [tilespmem:s6], [sflag:$0x2], $0x12000, $0x38;
	[tilespmem:$0x12200] =	vst v63  }
0xe2: {  	_ =	swait.ge [sflag:s5], $0x12000  }
0xe3: {  	[sflag:s5] =	ssyncset.done $0x0  }
0xe4: {  	s4 =	sadd.s32 $0xFFFFFFFF, s4;
	[sflag:s5] =	ssyncadd.s32 $0xFFFEE000  }
0xe5: {  	_ =	sfence.sel $0x180000  }
0xe6: {  	[bflag:$0x0] =	sbarrier.arrive $0xFFFF  }
0xe7: {  	_ =	strace $0x90000047  }
0xe8: {  	s0 =	stileid.u32;
	[bflag:$0x2] =	sbarrier.arrive $0xFFFF  }
0xe9: {  	p0 =	sne.s32 s0, $0x0;
	s0 =	rddreg [dreg:$0x2]  }
0xea: {  	s0 =	sadd.s32 @!p0 $0x100000, s0  }
0xeb: {  	[sflag:s0] =	ssyncadd.tile.s32 @!p0 $0x1;
	_ =	shalt  }
.Lfunc_end2:
_tile_overlayer_lowered:
.L_overlay_start_2:
0xec: {  	(tag) =	ssettag $0x2  }
0xed: {  	s0 =	rddreg [dreg:$0x0];
	s2 =	stileid.u32  }
0xee: {  	s1 =	rddreg [dreg:$0x1];
	p0 =	sne.s32 s2, $0x0  }
0xef: {  	s3 =	rddreg [dreg:$0x2];
	[bflag:$0x3] =	sbarrier.arrive $0xFFFF;
	s2 =	simm.s32 @!p0 $0x1C02  }
0xf0: {  	[timem:s3], [sflag:s2] =	dma.local @!p0 [hbm:s0], s1  }
0xf1: {  	s0 =	simm.s32 @!p0 $0x2  }
0xf2: {  	_ =	swait.ge @!p0 [sflag:s0], s1  }
0xf3: {  	s1 =	ssub.s32 @!p0 $0x0, s1;
	[sflag:s0] =	ssyncset.done @!p0 $0x0  }
0xf4: {  	[sflag:s0] =	ssyncadd.s32 @!p0 s1  }
0xf5: {  	[bflag:$0x3] =	sbarrier.arrive $0xFFFF  }
0xf6: {  	_ =	shalt  }

</sc_bundles>
